<compile_context>
chip_gen: v7x
topology: tpu7x:2x2x1
jax: 0.10.2.dev20260603
libtpu: 0.0.44.dev20260713+nightly
codegen_flags: <defaults>
</compile_context>

<pallas_src>
import functools
import jax
import jax.numpy as jnp
from jax import lax
from jax.experimental import pallas as pl
from jax.experimental.pallas import tpu as pltpu
from jax.experimental.pallas import tpu_sc as plsc

N = 10000
VOCAB = 10000
D = 128
PAD_N = 10240
D_PAD = 10240
E = 320000
CHUNK = 128
NCHUNK = 80
E_PAD = 32 * NCHUNK * CHUNK
TRASH = PAD_N - 1
NMASK = 1024

NC, NS = 2, 16
NW = NC * NS
ROWS_S = PAD_N // NS
MROWS_W = NMASK // NS

FAST_C = 0
CH_TOT = E_PAD // CHUNK
CH_F = 120
CH_G = (CH_TOT - NS * CH_F) // NS
SLOW_BASE = NS * CH_F
ROWS_F = PAD_N // NW
ROWS_G = (PAD_N - NS * ROWS_F) // NS

_mesh = plsc.VectorSubcoreMesh(core_axis_name="c", subcore_axis_name="s")



@functools.partial(
    pl.kernel,
    out_type=(
        jax.ShapeDtypeStruct((PAD_N, D), jnp.float32),
        jax.ShapeDtypeStruct((NC, NS, PAD_N), jnp.float32),
    ),
    mesh=_mesh,
    scratch_types=[
        pltpu.VMEM((ROWS_F,), jnp.int32),
        pltpu.VMEM((ROWS_F, D), jnp.float32),
        pltpu.VMEM((NCHUNK, CHUNK), jnp.int32),
        pltpu.VMEM((PAD_N,), jnp.float32),
        pltpu.SemaphoreType.DMA,
    ],
    compiler_params=pltpu.CompilerParams(needs_layout_passes=False),
)
def _emb_gather(emb_hbm, xid_hbm, dsts_hbm, zn_hbm, h0_hbm, cnt_out,
                idx_v, rows_v, dst_v, cnt_v, sem):
    c = lax.axis_index("c")
    s = lax.axis_index("s")
    wid = s * NC + c
    base = wid * ROWS_F
    pltpu.sync_copy(xid_hbm.at[pl.ds(base, ROWS_F)], idx_v)
    pltpu.async_copy(emb_hbm.at[idx_v], rows_v, sem)

    pltpu.sync_copy(dsts_hbm.at[pl.ds(wid * NCHUNK, NCHUNK)], dst_v)
    pltpu.sync_copy(zn_hbm, cnt_v)
    ones16 = jnp.ones((16,), jnp.float32)

    def body(j, carry):
        for i in range(CHUNK // 16):
            d16 = dst_v[j, pl.ds(i * 16, 16)]
            plsc.addupdate_scatter(cnt_v, (d16,), ones16)
        return carry

    lax.fori_loop(0, NCHUNK, body, 0)

    pltpu.make_async_copy(emb_hbm.at[pl.ds(0, ROWS_F)], rows_v, sem).wait()
    pltpu.sync_copy(rows_v, h0_hbm.at[pl.ds(base, ROWS_F)])
    pltpu.sync_copy(cnt_v, cnt_out.at[c, s])



PCHUNK = 40


def _wait(hbm, sem, buf):
    pltpu.make_async_copy(hbm.at[pl.ds(0, CHUNK)], buf, sem).wait()


def _edge_pipeline(h_hbm, srcs_hbm, dsts_hbm, base, nphase, src_v, dst_v,
                   rows_a, rows_b, agg_sh, gsem, ssem):
    def phase(p, pcarry):
        pltpu.sync_copy(srcs_hbm.at[pl.ds(base + p * PCHUNK, PCHUNK)], src_v)
        pltpu.sync_copy(dsts_hbm.at[pl.ds(base + p * PCHUNK, PCHUNK)], dst_v)
        pltpu.async_copy(h_hbm.at[src_v.at[0]], rows_a, gsem)

        def body(j, carry):
            e = 2 * j
            _wait(h_hbm, gsem, rows_a)

            @pl.when(j > 0)
            def _():
                _wait(h_hbm, ssem, rows_b)

            pltpu.async_copy(h_hbm.at[src_v.at[e + 1]], rows_b, gsem)
            pltpu.async_copy(rows_a, agg_sh.at[dst_v.at[e]], ssem, add=True)
            _wait(h_hbm, gsem, rows_b)
            _wait(h_hbm, ssem, rows_a)

            @pl.when(j < PCHUNK // 2 - 1)
            def _():
                pltpu.async_copy(h_hbm.at[src_v.at[e + 2]], rows_a, gsem)

            pltpu.async_copy(rows_b, agg_sh.at[dst_v.at[e + 1]], ssem, add=True)
            return carry

        lax.fori_loop(0, PCHUNK // 2, body, 0)
        _wait(h_hbm, ssem, rows_b)
        return pcarry

    lax.fori_loop(0, nphase, phase, 0)



@functools.partial(
    pl.kernel,
    out_type=jax.ShapeDtypeStruct((NC, PAD_N, D), jnp.float32),
    mesh=_mesh,
    scratch_types=[
        pltpu.VMEM((PCHUNK, CHUNK), jnp.int32),
        pltpu.VMEM((PCHUNK, CHUNK), jnp.int32),
        pltpu.VMEM((CHUNK, D), jnp.float32),
        pltpu.VMEM((CHUNK, D), jnp.float32),
        pltpu.VMEM_SHARED((PAD_N, D), jnp.float32),
        pltpu.SemaphoreType.DMA,
        pltpu.SemaphoreType.DMA,
    ],
)
def _agg1(h_hbm, srcs_hbm, dsts_hbm, zrows_hbm, p_out,
          src_v, dst_v, rows_a, rows_b, agg_sh, gsem, ssem):
    c = lax.axis_index("c")
    s = lax.axis_index("s")
    pltpu.sync_copy(zrows_hbm, agg_sh.at[pl.ds(s * ROWS_S, ROWS_S)])
    plsc.subcore_barrier()
    base = jnp.where(c == FAST_C, s * CH_F, SLOW_BASE + s * CH_G)
    nph = jnp.where(c == FAST_C, CH_F // PCHUNK, CH_G // PCHUNK)
    _edge_pipeline(h_hbm, srcs_hbm, dsts_hbm, base, nph,
                   src_v, dst_v, rows_a, rows_b, agg_sh, gsem, ssem)
    plsc.subcore_barrier()
    sl = pl.ds(s * ROWS_S, ROWS_S)
    pltpu.sync_copy(agg_sh.at[sl], p_out.at[c, sl])



@functools.partial(
    pl.kernel,
    out_type=(
        jax.ShapeDtypeStruct((NC, NMASK, D), jnp.float32),
        jax.ShapeDtypeStruct((NMASK, D), jnp.float32),
        jax.ShapeDtypeStruct((NMASK, D), jnp.float32),
    ),
    mesh=_mesh,
    scratch_types=[
        pltpu.VMEM((PCHUNK, CHUNK), jnp.int32),
        pltpu.VMEM((PCHUNK, CHUNK), jnp.int32),
        pltpu.VMEM((CHUNK, D), jnp.float32),
        pltpu.VMEM((CHUNK, D), jnp.float32),
        pltpu.VMEM((MROWS_W,), jnp.int32),
        pltpu.VMEM_SHARED((PAD_N, D), jnp.float32),
        pltpu.SemaphoreType.DMA,
        pltpu.SemaphoreType.DMA,
    ],
)
def _agg2(h_hbm, srcs_hbm, dsts_hbm, zrows_hbm, mask_hbm, icn_hbm,
          aggm_out, h1m_out, icm_out,
          src_v, dst_v, rows_a, rows_b, mask_v, agg_sh, gsem, ssem):
    c = lax.axis_index("c")
    s = lax.axis_index("s")
    pltpu.sync_copy(zrows_hbm, agg_sh.at[pl.ds(s * ROWS_S, ROWS_S)])
    plsc.subcore_barrier()
    base = jnp.where(c == FAST_C, s * CH_F, SLOW_BASE + s * CH_G)
    nph = jnp.where(c == FAST_C, CH_F // PCHUNK, CH_G // PCHUNK)
    _edge_pipeline(h_hbm, srcs_hbm, dsts_hbm, base, nph,
                   src_v, dst_v, rows_a, rows_b, agg_sh, gsem, ssem)
    plsc.subcore_barrier()

    mb = s * MROWS_W
    mrows_v = rows_a.at[pl.ds(0, MROWS_W)]
    pltpu.sync_copy(mask_hbm.at[pl.ds(mb, MROWS_W)], mask_v)
    pltpu.async_copy(agg_sh.at[mask_v], mrows_v, gsem).wait()
    pltpu.sync_copy(mrows_v, aggm_out.at[c, pl.ds(mb, MROWS_W)])

    @pl.when(c == FAST_C)
    def _():
        pltpu.async_copy(h_hbm.at[mask_v], mrows_v, gsem).wait()
        pltpu.sync_copy(mrows_v, h1m_out.at[pl.ds(mb, MROWS_W)])

    @pl.when(c != FAST_C)
    def _():
        pltpu.async_copy(icn_hbm.at[mask_v], mrows_v, gsem).wait()
        pltpu.sync_copy(mrows_v, icm_out.at[pl.ds(mb, MROWS_W)])



BLK1 = 1024

def _layer1_body(p0_ref, p1_ref, cnt_ref, h0_ref, wl_ref, wr_ref, b1_ref,
                 h1_ref, inv_ref):
    cnt = jnp.sum(cnt_ref[...], axis=1, keepdims=True)
    inv = 1.0 / jnp.maximum(cnt, 1.0)
    agg = (p0_ref[...] + p1_ref[...]) * inv
    h1 = (jnp.dot(agg, wl_ref[...], preferred_element_type=jnp.float32)
          + jnp.dot(h0_ref[...], wr_ref[...], preferred_element_type=jnp.float32)
          + b1_ref[...])
    h1_ref[...] = jnp.maximum(h1, 0.0)
    inv_ref[...] = jnp.broadcast_to(inv, (BLK1, D))


def _layer1_tc(p0, p1, cnt_t, h0, wl, wr, b1):
    grid = (PAD_N // BLK1,)
    return pl.pallas_call(
        _layer1_body,
        grid=grid,
        in_specs=[
            pl.BlockSpec((BLK1, D), lambda i: (i, 0)),
            pl.BlockSpec((BLK1, D), lambda i: (i, 0)),
            pl.BlockSpec((BLK1, NW), lambda i: (i, 0)),
            pl.BlockSpec((BLK1, D), lambda i: (i, 0)),
            pl.BlockSpec((D, D), lambda i: (0, 0)),
            pl.BlockSpec((D, D), lambda i: (0, 0)),
            pl.BlockSpec((1, D), lambda i: (0, 0)),
        ],
        out_specs=(
            pl.BlockSpec((BLK1, D), lambda i: (i, 0)),
            pl.BlockSpec((BLK1, D), lambda i: (i, 0)),
        ),
        out_shape=(
            jax.ShapeDtypeStruct((PAD_N, D), jnp.float32),
            jax.ShapeDtypeStruct((PAD_N, D), jnp.float32),
        ),
    )(p0, p1, cnt_t, h0, wl, wr, b1)



BLK2 = 128

def _out_body(a0_ref, a1_ref, h1m_ref, icm_ref, wl_ref, wr_ref, b2_ref, out_ref):
    agg = (a0_ref[...] + a1_ref[...]) * icm_ref[:, 0:1]
    logits = (jnp.dot(agg, wl_ref[...], preferred_element_type=jnp.float32)
              + jnp.dot(h1m_ref[...], wr_ref[...], preferred_element_type=jnp.float32)
              + b2_ref[...])
    m = jnp.max(logits, axis=1, keepdims=True)
    lse = jnp.log(jnp.sum(jnp.exp(logits - m), axis=1, keepdims=True))
    out_ref[...] = logits - m - lse


def _out_tc(a0, a1, h1m, icm, wl, wr, b2p):
    grid = (NMASK // BLK2,)
    return pl.pallas_call(
        _out_body,
        grid=grid,
        in_specs=[
            pl.BlockSpec((BLK2, D), lambda i: (i, 0)),
            pl.BlockSpec((BLK2, D), lambda i: (i, 0)),
            pl.BlockSpec((BLK2, D), lambda i: (i, 0)),
            pl.BlockSpec((BLK2, D), lambda i: (i, 0)),
            pl.BlockSpec((D, D_PAD), lambda i: (0, 0)),
            pl.BlockSpec((D, D_PAD), lambda i: (0, 0)),
            pl.BlockSpec((1, D_PAD), lambda i: (0, 0)),
        ],
        out_specs=pl.BlockSpec((BLK2, D_PAD), lambda i: (i, 0)),
        out_shape=jax.ShapeDtypeStruct((NMASK, D_PAD), jnp.float32),
    )(a0, a1, h1m, icm, wl, wr, b2p)



def kernel(x, edge_index, mask_x_position, emb, W1_l, W1_r, b1, W2_l, W2_r, b2):
    f32 = jnp.float32
    i32 = jnp.int32
    x_pad = jnp.concatenate(
        [x[:, 0].astype(i32), jnp.zeros((PAD_N - N,), i32)])
    src_p = jnp.concatenate(
        [edge_index[0].astype(i32), jnp.zeros((E_PAD - E,), i32)]
    ).reshape(CH_TOT, CHUNK)
    dst_p = jnp.concatenate(
        [edge_index[1].astype(i32), jnp.full((E_PAD - E,), TRASH, i32)]
    ).reshape(CH_TOT, CHUNK)
    zrows = jnp.zeros((ROWS_S, D), f32)
    zn = jnp.zeros((PAD_N,), f32)
    mask = mask_x_position.astype(i32)

    w1l = W1_l.T
    w1r = W1_r.T
    b1r = b1.reshape(1, D)
    w2l = jnp.pad(W2_l, ((0, D_PAD - VOCAB), (0, 0))).T
    w2r = jnp.pad(W2_r, ((0, D_PAD - VOCAB), (0, 0))).T
    b2p = jnp.pad(b2, (0, D_PAD - VOCAB), constant_values=-1e30).reshape(1, D_PAD)

    h0, cnt = _emb_gather(emb, x_pad, dst_p, zn)
    p = _agg1(h0, src_p, dst_p, zrows)
    cnt_t = cnt.reshape(NW, PAD_N).T
    h1, inv = _layer1_tc(p[0], p[1], cnt_t, h0, w1l, w1r, b1r)
    aggm, h1m, icm = _agg2(h1, src_p, dst_p, zrows, mask, inv)
    out = _out_tc(aggm[0], aggm[1], h1m, icm, w2l, w2r, b2p)
    return out[:, :VOCAB]

# --- scband reference (transcript-rebuilt; emitter-appended) ---
"""Pipeline reference for scband-sage-13237089207003 (READ-ONLY COPY).

The authoritative reference and input builder live on the scoring server;
editing this copy changes nothing except your own understanding.
"""

import jax, jax.numpy as jnp
import numpy as np

N_NODES = 10000
N_EDGES = 320000
DICT = 10000
NODE_DIM = 128
HID = 128


def setup_inputs(seed: int = 0) -> dict:
    key = jax.random.key(seed)
    ks = jax.random.split(key, 12)
    x = jax.random.randint(ks[0], (N_NODES, 1), 0, DICT, dtype=jnp.int64) if jax.config.read('jax_enable_x64') else jax.random.randint(ks[0], (N_NODES, 1), 0, DICT).astype(jnp.int32)
    edge_index = jax.random.randint(ks[1], (2, N_EDGES), 0, N_NODES).astype(jnp.int32)
    mask_x_position = jax.random.randint(ks[2], (1024,), 0, N_NODES).astype(jnp.int32)
    emb = jax.random.normal(ks[3], (DICT, NODE_DIM), dtype=jnp.float32) * (NODE_DIM ** -0.5)
    s1 = 1.0 / np.sqrt(NODE_DIM)
    W1_l = jax.random.uniform(ks[4], (HID, NODE_DIM), jnp.float32, -s1, s1)
    W1_r = jax.random.uniform(ks[5], (HID, NODE_DIM), jnp.float32, -s1, s1)
    b1 = jax.random.uniform(ks[6], (HID,), jnp.float32, -s1, s1)
    s2 = 1.0 / np.sqrt(HID)
    W2_l = jax.random.uniform(ks[7], (DICT, HID), jnp.float32, -s2, s2)
    W2_r = jax.random.uniform(ks[8], (DICT, HID), jnp.float32, -s2, s2)
    b2 = jax.random.uniform(ks[9], (DICT,), jnp.float32, -s2, s2)
    return {"x": x, "edge_index": edge_index, "mask_x_position": mask_x_position,
            "emb": emb, "W1_l": W1_l, "W1_r": W1_r, "b1": b1,
            "W2_l": W2_l, "W2_r": W2_r, "b2": b2}


def _sage_conv(h, edge_index, W_l, W_r, b):
    # PyG SAGEConv (mean aggregation): out = lin_l(mean_j h_j) + lin_r(h_i)
    n = h.shape[0]
    src = edge_index[0]
    dst = edge_index[1]
    msgs = jnp.take(h, src, axis=0)
    agg = jax.ops.segment_sum(msgs, dst, num_segments=n)
    cnt = jax.ops.segment_sum(jnp.ones((edge_index.shape[1],), dtype=h.dtype), dst, num_segments=n)
    agg = agg / jnp.clip(cnt, 1.0)[:, None]
    return agg @ W_l.T + h @ W_r.T + b


def reference(x, edge_index, mask_x_position, emb, W1_l, W1_r, b1, W2_l, W2_r, b2):
    # node_embedding_layer(x).squeeze(1)
    h = jnp.squeeze(jnp.take(emb, x, axis=0), axis=1)
    # dropout is identity in eval mode
    h = _sage_conv(h, edge_index, W1_l, W1_r, b1)
    h = jax.nn.relu(h)
    h = _sage_conv(h, edge_index, W2_l, W2_r, b2)
    out = jax.nn.log_softmax(jnp.take(h, mask_x_position, axis=0), axis=1)
    return out

if __name__ == "__main__":
    import jax
    _d = setup_inputs()
    print(jax.jit(kernel)(*tuple(_d.values())))

</pallas_src>

<mosaic_0001>
#map = affine_map<(d0, d1) -> (0, 0)>
#map1 = affine_map<(d0, d1) -> (0)>
#map2 = affine_map<(d0, d1) -> (0, 0, 0)>
module attributes {stable_mosaic.version = 14 : i64} {
  func.func @_emb_gather(%arg0: i32, %arg1: i32, %arg2: memref<10000x128xf32, #tpu.memory_space<hbm>>, %arg3: memref<10240xi32, #tpu.memory_space<hbm>>, %arg4: memref<2560x128xi32, #tpu.memory_space<hbm>>, %arg5: memref<10240xf32, #tpu.memory_space<hbm>>, %arg6: memref<10240x128xf32, #tpu.memory_space<hbm>>, %arg7: memref<2x16x10240xf32, #tpu.memory_space<hbm>>, %arg8: memref<320xi32, #tpu.memory_space<vmem>>, %arg9: memref<320x128xf32, #tpu.memory_space<vmem>>, %arg10: memref<80x128xi32, #tpu.memory_space<vmem>>, %arg11: memref<10240xf32, #tpu.memory_space<vmem>>, %arg12: memref<!tpu.dma_semaphore, #tpu.memory_space<semaphore_mem>>) attributes {dimension_semantics = [#tpu.dimension_semantics<core_parallel>, #tpu.dimension_semantics<subcore_parallel>], iteration_bounds = array<i64: 2, 16>, scalar_prefetch = 0 : i64, scratch_operands = 5 : i64, tpu.core_type = #tpu.core_type<sc_vector_subcore>, window_params = [{transform_indices = #map}, {transform_indices = #map1}, {transform_indices = #map}, {transform_indices = #map1}, {transform_indices = #map}, {transform_indices = #map2}]} {
    %mul3A = arith.constant 2 : i32
    %mul3A_0 = arith.muli %arg1, %mul3A : i32
    %add3A = arith.addi %mul3A_0, %arg0 : i32
    %mul3A_1 = arith.constant 320 : i32
    %mul3A_2 = arith.muli %add3A, %mul3A_1 : i32
    "tpu.region"() ({
      %run_scoped3A = tpu.sem_alloc : memref<!tpu.dma_semaphore, #tpu.memory_space<semaphore_mem>>
      %dma_start3A_18 = tpu.memref_slice %arg3[%mul3A_2] : memref<10240xi32, #tpu.memory_space<hbm>> -> memref<320xi32, #tpu.memory_space<hbm>>
      %dma_start3A_19 = tpu.memref_slice %arg3[%mul3A_2] : memref<10240xi32, #tpu.memory_space<hbm>> -> memref<320xi32, #tpu.memory_space<hbm>>
      tpu.enqueue_dma source(%dma_start3A_19 : memref<320xi32, #tpu.memory_space<hbm>>) target(%arg8 : memref<320xi32, #tpu.memory_space<vmem>>) target_semaphore(%run_scoped3A : memref<!tpu.dma_semaphore, #tpu.memory_space<semaphore_mem>>)
      %dma_wait3A_20 = tpu.memref_slice %arg3[%mul3A_2] : memref<10240xi32, #tpu.memory_space<hbm>> -> memref<320xi32, #tpu.memory_space<hbm>>
      %dma_wait3A_21 = tpu.memref_slice %arg3[%mul3A_2] : memref<10240xi32, #tpu.memory_space<hbm>> -> memref<320xi32, #tpu.memory_space<hbm>>
      tpu.wait_dma2 semaphore(%run_scoped3A : memref<!tpu.dma_semaphore, #tpu.memory_space<semaphore_mem>>) src(%dma_wait3A_21 : memref<320xi32, #tpu.memory_space<hbm>>) dst(%arg8 : memref<320xi32, #tpu.memory_space<vmem>>)
      tpu.yield
    }) : () -> ()
    %dma_start3A = arith.constant 0 : i32
    %dma_start3A_3 = arith.constant 0 : i32
    %dma_start3A_4 = tpu.memref_slice %arg2[%dma_start3A, %dma_start3A_3] : memref<10000x128xf32, #tpu.memory_space<hbm>> -> memref<10000x128xf32, #tpu.memory_space<hbm>>
    tpu.enqueue_indirect_dma source(%dma_start3A_4 : memref<10000x128xf32, #tpu.memory_space<hbm>>) target(%arg9 : memref<320x128xf32, #tpu.memory_space<vmem>>) offsets(%arg8 : memref<320xi32, #tpu.memory_space<vmem>>) semaphore(%arg12 : memref<!tpu.dma_semaphore, #tpu.memory_space<semaphore_mem>>)
    %mul3A_5 = arith.constant 80 : i32
    %mul3A_6 = arith.muli %add3A, %mul3A_5 : i32
    "tpu.region"() ({
      %run_scoped3A = tpu.sem_alloc : memref<!tpu.dma_semaphore, #tpu.memory_space<semaphore_mem>>
      %dma_start3A_18 = arith.constant 0 : i32
      %dma_start3A_19 = tpu.memref_slice %arg4[%mul3A_6, %dma_start3A_18] : memref<2560x128xi32, #tpu.memory_space<hbm>> -> memref<80x128xi32, #tpu.memory_space<hbm>>
      %dma_start3A_20 = arith.constant 0 : i32
      %dma_start3A_21 = tpu.memref_slice %arg4[%mul3A_6, %dma_start3A_20] : memref<2560x128xi32, #tpu.memory_space<hbm>> -> memref<80x128xi32, #tpu.memory_space<hbm>>
      tpu.enqueue_dma source(%dma_start3A_21 : memref<80x128xi32, #tpu.memory_space<hbm>>) target(%arg10 : memref<80x128xi32, #tpu.memory_space<vmem>>) target_semaphore(%run_scoped3A : memref<!tpu.dma_semaphore, #tpu.memory_space<semaphore_mem>>)
      %dma_wait3A_22 = arith.constant 0 : i32
      %dma_wait3A_23 = tpu.memref_slice %arg4[%mul3A_6, %dma_wait3A_22] : memref<2560x128xi32, #tpu.memory_space<hbm>> -> memref<80x128xi32, #tpu.memory_space<hbm>>
      %dma_wait3A_24 = arith.constant 0 : i32
      %dma_wait3A_25 = tpu.memref_slice %arg4[%mul3A_6, %dma_wait3A_24] : memref<2560x128xi32, #tpu.memory_space<hbm>> -> memref<80x128xi32, #tpu.memory_space<hbm>>
      tpu.wait_dma2 semaphore(%run_scoped3A : memref<!tpu.dma_semaphore, #tpu.memory_space<semaphore_mem>>) src(%dma_wait3A_25 : memref<80x128xi32, #tpu.memory_space<hbm>>) dst(%arg10 : memref<80x128xi32, #tpu.memory_space<vmem>>)
      tpu.yield
    }) : () -> ()
    "tpu.region"() ({
      %run_scoped3A = tpu.sem_alloc : memref<!tpu.dma_semaphore, #tpu.memory_space<semaphore_mem>>
      tpu.enqueue_dma source(%arg5 : memref<10240xf32, #tpu.memory_space<hbm>>) target(%arg11 : memref<10240xf32, #tpu.memory_space<vmem>>) target_semaphore(%run_scoped3A : memref<!tpu.dma_semaphore, #tpu.memory_space<semaphore_mem>>)
      tpu.wait_dma2 semaphore(%run_scoped3A : memref<!tpu.dma_semaphore, #tpu.memory_space<semaphore_mem>>) src(%arg5 : memref<10240xf32, #tpu.memory_space<hbm>>) dst(%arg11 : memref<10240xf32, #tpu.memory_space<vmem>>)
      tpu.yield
    }) : () -> ()
    %broadcast_in_dim3A = arith.constant 1.000000e+00 : f32
    %broadcast_in_dim3A_7 = vector.broadcast %broadcast_in_dim3A : f32 to vector<16xf32>
    %scan3A = arith.constant 0 : i32
    %scan3A_8 = arith.constant 0 : i32
    %scan3A_9 = arith.constant 80 : i32
    %scan3A_10 = arith.addi %scan3A_8, %scan3A_9 : i32
    %scan3A_11 = arith.constant 1 : i32
    scf.for %scan3A_18 = %scan3A_8 to %scan3A_10 step %scan3A_11  : i32 {
      %get3A = arith.index_cast %scan3A_18 : i32 to index
      %get3A_19 = arith.constant 0 : index
      %get3A_20 = tpu.vector_load %arg10[%get3A, %get3A_19] {strides = array<i32>} : memref<80x128xi32, #tpu.memory_space<vmem>>, vector<16xi32>,
      tpu.vector_store_idx %arg11[%get3A_20], %broadcast_in_dim3A_7 {add = true} : memref<10240xf32, #tpu.memory_space<vmem>>[vector<16xi32>], vector<16xf32>,
      %get3A_21 = arith.index_cast %scan3A_18 : i32 to index
      %get3A_22 = arith.constant 16 : index
      %get3A_23 = tpu.vector_load %arg10[%get3A_21, %get3A_22] {strides = array<i32>} : memref<80x128xi32, #tpu.memory_space<vmem>>, vector<16xi32>,
      tpu.vector_store_idx %arg11[%get3A_23], %broadcast_in_dim3A_7 {add = true} : memref<10240xf32, #tpu.memory_space<vmem>>[vector<16xi32>], vector<16xf32>,
      %get3A_24 = arith.index_cast %scan3A_18 : i32 to index
      %get3A_25 = arith.constant 32 : index
      %get3A_26 = tpu.vector_load %arg10[%get3A_24, %get3A_25] {strides = array<i32>} : memref<80x128xi32, #tpu.memory_space<vmem>>, vector<16xi32>,
      tpu.vector_store_idx %arg11[%get3A_26], %broadcast_in_dim3A_7 {add = true} : memref<10240xf32, #tpu.memory_space<vmem>>[vector<16xi32>], vector<16xf32>,
      %get3A_27 = arith.index_cast %scan3A_18 : i32 to index
      %get3A_28 = arith.constant 48 : index
      %get3A_29 = tpu.vector_load %arg10[%get3A_27, %get3A_28] {strides = array<i32>} : memref<80x128xi32, #tpu.memory_space<vmem>>, vector<16xi32>,
      tpu.vector_store_idx %arg11[%get3A_29], %broadcast_in_dim3A_7 {add = true} : memref<10240xf32, #tpu.memory_space<vmem>>[vector<16xi32>], vector<16xf32>,
      %get3A_30 = arith.index_cast %scan3A_18 : i32 to index
      %get3A_31 = arith.constant 64 : index
      %get3A_32 = tpu.vector_load %arg10[%get3A_30, %get3A_31] {strides = array<i32>} : memref<80x128xi32, #tpu.memory_space<vmem>>, vector<16xi32>,
      tpu.vector_store_idx %arg11[%get3A_32], %broadcast_in_dim3A_7 {add = true} : memref<10240xf32, #tpu.memory_space<vmem>>[vector<16xi32>], vector<16xf32>,
      %get3A_33 = arith.index_cast %scan3A_18 : i32 to index
      %get3A_34 = arith.constant 80 : index
      %get3A_35 = tpu.vector_load %arg10[%get3A_33, %get3A_34] {strides = array<i32>} : memref<80x128xi32, #tpu.memory_space<vmem>>, vector<16xi32>,
      tpu.vector_store_idx %arg11[%get3A_35], %broadcast_in_dim3A_7 {add = true} : memref<10240xf32, #tpu.memory_space<vmem>>[vector<16xi32>], vector<16xf32>,
      %get3A_36 = arith.index_cast %scan3A_18 : i32 to index
      %get3A_37 = arith.constant 96 : index
      %get3A_38 = tpu.vector_load %arg10[%get3A_36, %get3A_37] {strides = array<i32>} : memref<80x128xi32, #tpu.memory_space<vmem>>, vector<16xi32>,
      tpu.vector_store_idx %arg11[%get3A_38], %broadcast_in_dim3A_7 {add = true} : memref<10240xf32, #tpu.memory_space<vmem>>[vector<16xi32>], vector<16xf32>,
      %get3A_39 = arith.index_cast %scan3A_18 : i32 to index
      %get3A_40 = arith.constant 112 : index
      %get3A_41 = tpu.vector_load %arg10[%get3A_39, %get3A_40] {strides = array<i32>} : memref<80x128xi32, #tpu.memory_space<vmem>>, vector<16xi32>,
      tpu.vector_store_idx %arg11[%get3A_41], %broadcast_in_dim3A_7 {add = true} : memref<10240xf32, #tpu.memory_space<vmem>>[vector<16xi32>], vector<16xf32>,
    }
    %scan3A_12 = arith.constant 80 : i32
    %dma_wait3A = arith.constant 0 : i32
    %dma_wait3A_13 = arith.constant 0 : i32
    %dma_wait3A_14 = tpu.memref_slice %arg2[%dma_wait3A, %dma_wait3A_13] : memref<10000x128xf32, #tpu.memory_space<hbm>> -> memref<320x128xf32, #tpu.memory_space<hbm>>
    %dma_wait3A_15 = arith.constant 0 : i32
    %dma_wait3A_16 = arith.constant 0 : i32
    %dma_wait3A_17 = tpu.memref_slice %arg2[%dma_wait3A_15, %dma_wait3A_16] : memref<10000x128xf32, #tpu.memory_space<hbm>> -> memref<320x128xf32, #tpu.memory_space<hbm>>
    tpu.wait_dma2 semaphore(%arg12 : memref<!tpu.dma_semaphore, #tpu.memory_space<semaphore_mem>>) src(%dma_wait3A_17 : memref<320x128xf32, #tpu.memory_space<hbm>>) dst(%arg9 : memref<320x128xf32, #tpu.memory_space<vmem>>)
    "tpu.region"() ({
      %run_scoped3A = tpu.sem_alloc : memref<!tpu.dma_semaphore, #tpu.memory_space<semaphore_mem>>
      %dma_start3A_18 = arith.constant 0 : i32
      %dma_start3A_19 = tpu.memref_slice %arg6[%mul3A_2, %dma_start3A_18] : memref<10240x128xf32, #tpu.memory_space<hbm>> -> memref<320x128xf32, #tpu.memory_space<hbm>>
      %dma_start3A_20 = arith.constant 0 : i32
      %dma_start3A_21 = tpu.memref_slice %arg6[%mul3A_2, %dma_start3A_20] : memref<10240x128xf32, #tpu.memory_space<hbm>> -> memref<320x128xf32, #tpu.memory_space<hbm>>
      tpu.enqueue_dma source(%arg9 : memref<320x128xf32, #tpu.memory_space<vmem>>) target(%dma_start3A_21 : memref<320x128xf32, #tpu.memory_space<hbm>>) target_semaphore(%run_scoped3A : memref<!tpu.dma_semaphore, #tpu.memory_space<semaphore_mem>>)
      %dma_wait3A_22 = arith.constant 0 : i32
      %dma_wait3A_23 = tpu.memref_slice %arg6[%mul3A_2, %dma_wait3A_22] : memref<10240x128xf32, #tpu.memory_space<hbm>> -> memref<320x128xf32, #tpu.memory_space<hbm>>
      %dma_wait3A_24 = arith.constant 0 : i32
      %dma_wait3A_25 = tpu.memref_slice %arg6[%mul3A_2, %dma_wait3A_24] : memref<10240x128xf32, #tpu.memory_space<hbm>> -> memref<320x128xf32, #tpu.memory_space<hbm>>
      tpu.wait_dma2 semaphore(%run_scoped3A : memref<!tpu.dma_semaphore, #tpu.memory_space<semaphore_mem>>) src(%arg9 : memref<320x128xf32, #tpu.memory_space<vmem>>) dst(%dma_wait3A_25 : memref<320x128xf32, #tpu.memory_space<hbm>>)
      tpu.yield
    }) : () -> ()
    "tpu.region"() ({
      %run_scoped3A = tpu.sem_alloc : memref<!tpu.dma_semaphore, #tpu.memory_space<semaphore_mem>>
      %dma_start3A_18 = arith.constant 0 : i32
      %dma_start3A_19 = tpu.memref_slice %arg7[%arg0, %arg1, %dma_start3A_18] : memref<2x16x10240xf32, #tpu.memory_space<hbm>> -> memref<1x1x10240xf32, #tpu.memory_space<hbm>>
      %dma_start3A_20 = tpu.memref_squeeze %dma_start3A_19 : memref<1x1x10240xf32, #tpu.memory_space<hbm>> -> memref<10240xf32, #tpu.memory_space<hbm>>
      %dma_start3A_21 = arith.constant 0 : i32
      %dma_start3A_22 = tpu.memref_slice %arg7[%arg0, %arg1, %dma_start3A_21] : memref<2x16x10240xf32, #tpu.memory_space<hbm>> -> memref<1x1x10240xf32, #tpu.memory_space<hbm>>
      %dma_start3A_23 = tpu.memref_squeeze %dma_start3A_22 : memref<1x1x10240xf32, #tpu.memory_space<hbm>> -> memref<10240xf32, #tpu.memory_space<hbm>>
      tpu.enqueue_dma source(%arg11 : memref<10240xf32, #tpu.memory_space<vmem>>) target(%dma_start3A_23 : memref<10240xf32, #tpu.memory_space<hbm>>) target_semaphore(%run_scoped3A : memref<!tpu.dma_semaphore, #tpu.memory_space<semaphore_mem>>)
      %dma_wait3A_24 = arith.constant 0 : i32
      %dma_wait3A_25 = tpu.memref_slice %arg7[%arg0, %arg1, %dma_wait3A_24] : memref<2x16x10240xf32, #tpu.memory_space<hbm>> -> memref<1x1x10240xf32, #tpu.memory_space<hbm>>
      %dma_wait3A_26 = tpu.memref_squeeze %dma_wait3A_25 : memref<1x1x10240xf32, #tpu.memory_space<hbm>> -> memref<10240xf32, #tpu.memory_space<hbm>>
      %dma_wait3A_27 = arith.constant 0 : i32
      %dma_wait3A_28 = tpu.memref_slice %arg7[%arg0, %arg1, %dma_wait3A_27] : memref<2x16x10240xf32, #tpu.memory_space<hbm>> -> memref<1x1x10240xf32, #tpu.memory_space<hbm>>
      %dma_wait3A_29 = tpu.memref_squeeze %dma_wait3A_28 : memref<1x1x10240xf32, #tpu.memory_space<hbm>> -> memref<10240xf32, #tpu.memory_space<hbm>>
      tpu.wait_dma2 semaphore(%run_scoped3A : memref<!tpu.dma_semaphore, #tpu.memory_space<semaphore_mem>>) src(%arg11 : memref<10240xf32, #tpu.memory_space<vmem>>) dst(%dma_wait3A_29 : memref<10240xf32, #tpu.memory_space<hbm>>)
      tpu.yield
    }) : () -> ()
    return
  }
}

#map = affine_map<(d0, d1) -> (0, 0)>
#map1 = affine_map<(d0, d1) -> (0, 0, 0)>
module attributes {stable_mosaic.version = 14 : i64} {
  func.func @_agg1(%arg0: i32, %arg1: i32, %arg2: memref<10240x128xf32, #tpu.memory_space<hbm>>, %arg3: memref<2560x128xi32, #tpu.memory_space<hbm>>, %arg4: memref<2560x128xi32, #tpu.memory_space<hbm>>, %arg5: memref<640x128xf32, #tpu.memory_space<hbm>>, %arg6: memref<2x10240x128xf32, #tpu.memory_space<hbm>>, %arg7: memref<40x128xi32, #tpu.memory_space<vmem>>, %arg8: memref<40x128xi32, #tpu.memory_space<vmem>>, %arg9: memref<128x128xf32, #tpu.memory_space<vmem>>, %arg10: memref<128x128xf32, #tpu.memory_space<vmem>>, %arg11: memref<10240x128xf32, #tpu.memory_space<vmem_shared>>, %arg12: memref<!tpu.dma_semaphore, #tpu.memory_space<semaphore_mem>>, %arg13: memref<!tpu.dma_semaphore, #tpu.memory_space<semaphore_mem>>) attributes {dimension_semantics = [#tpu.dimension_semantics<core_parallel>, #tpu.dimension_semantics<subcore_parallel>], iteration_bounds = array<i64: 2, 16>, scalar_prefetch = 0 : i64, scratch_operands = 7 : i64, tpu.core_type = #tpu.core_type<sc_vector_subcore>, window_params = [{transform_indices = #map}, {transform_indices = #map}, {transform_indices = #map}, {transform_indices = #map}, {transform_indices = #map1}]} {
    %mul3A = arith.constant 640 : i32
    %mul3A_0 = arith.muli %arg1, %mul3A : i32
    "tpu.region"() ({
      %run_scoped3A = tpu.sem_alloc : memref<!tpu.dma_semaphore, #tpu.memory_space<semaphore_mem>>
      %dma_start3A = arith.constant 0 : i32
      %dma_start3A_23 = tpu.memref_slice %arg11[%mul3A_0, %dma_start3A] : memref<10240x128xf32, #tpu.memory_space<vmem_shared>> -> memref<640x128xf32, #tpu.memory_space<vmem_shared>>
      tpu.enqueue_dma source(%arg5 : memref<640x128xf32, #tpu.memory_space<hbm>>) target(%dma_start3A_23 : memref<640x128xf32, #tpu.memory_space<vmem_shared>>) target_semaphore(%run_scoped3A : memref<!tpu.dma_semaphore, #tpu.memory_space<semaphore_mem>>)
      %dma_wait3A = arith.constant 0 : i32
      %dma_wait3A_24 = tpu.memref_slice %arg11[%mul3A_0, %dma_wait3A] : memref<10240x128xf32, #tpu.memory_space<vmem_shared>> -> memref<640x128xf32, #tpu.memory_space<vmem_shared>>
      tpu.wait_dma2 semaphore(%run_scoped3A : memref<!tpu.dma_semaphore, #tpu.memory_space<semaphore_mem>>) src(%arg5 : memref<640x128xf32, #tpu.memory_space<hbm>>) dst(%dma_wait3A_24 : memref<640x128xf32, #tpu.memory_space<vmem_shared>>)
      tpu.yield
    }) : () -> ()
    %barrier3A = arith.constant 0 : index
    tpu.barrier barrier_id(%barrier3A)
    %eq3A = arith.constant 0 : i32
    %eq3A_1 = arith.cmpi eq, %arg0, %eq3A : i32
    %mul3A_2 = arith.constant 120 : i32
    %mul3A_3 = arith.muli %arg1, %mul3A_2 : i32
    %mul3A_4 = arith.constant 40 : i32
    %mul3A_5 = arith.muli %arg1, %mul3A_4 : i32
    %add3A = arith.constant 1920 : i32
    %add3A_6 = arith.addi %add3A, %mul3A_5 : i32
    %select_n3A = arith.select %eq3A_1, %mul3A_3, %add3A_6 : i32
    %eq3A_7 = arith.constant 0 : i32
    %eq3A_8 = arith.cmpi eq, %arg0, %eq3A_7 : i32
    %jit3A = arith.constant 3 : i32
    %jit3A_9 = arith.constant 1 : i32
    %select_n3A_10 = arith.select %eq3A_8, %jit3A, %jit3A_9 : i32
    %while3A = arith.constant 0 : i32
    %while3A_11 = arith.constant 0 : i32
    %while3A_12 = arith.subi %select_n3A_10, %while3A_11 : i32
    %while3A_13 = arith.addi %while3A_11, %while3A_12 : i32
    %while3A_14 = arith.constant 1 : i32
    %while3A_15 = arith.divsi %while3A_12, %while3A_14 : i32
    %while3A_16 = arith.muli %while3A_15, %while3A_14 : i32
    %while3A_17 = arith.addi %while3A_11, %while3A_16 : i32
    %while3A_18 = arith.constant 1 : i32
    scf.for %while3A_23 = %while3A_11 to %while3A_17 step %while3A_18  : i32 {
      %mul3A_24 = arith.constant 40 : i32
      %mul3A_25 = arith.muli %while3A_23, %mul3A_24 : i32
      %add3A_26 = arith.addi %select_n3A, %mul3A_25 : i32
      "tpu.region"() ({
        %run_scoped3A = tpu.sem_alloc : memref<!tpu.dma_semaphore, #tpu.memory_space<semaphore_mem>>
        %dma_start3A_46 = arith.constant 0 : i32
        %dma_start3A_47 = tpu.memref_slice %arg3[%add3A_26, %dma_start3A_46] : memref<2560x128xi32, #tpu.memory_space<hbm>> -> memref<40x128xi32, #tpu.memory_space<hbm>>
        %dma_start3A_48 = arith.constant 0 : i32
        %dma_start3A_49 = tpu.memref_slice %arg3[%add3A_26, %dma_start3A_48] : memref<2560x128xi32, #tpu.memory_space<hbm>> -> memref<40x128xi32, #tpu.memory_space<hbm>>
        tpu.enqueue_dma source(%dma_start3A_49 : memref<40x128xi32, #tpu.memory_space<hbm>>) target(%arg7 : memref<40x128xi32, #tpu.memory_space<vmem>>) target_semaphore(%run_scoped3A : memref<!tpu.dma_semaphore, #tpu.memory_space<semaphore_mem>>)
        %dma_wait3A_50 = arith.constant 0 : i32
        %dma_wait3A_51 = tpu.memref_slice %arg3[%add3A_26, %dma_wait3A_50] : memref<2560x128xi32, #tpu.memory_space<hbm>> -> memref<40x128xi32, #tpu.memory_space<hbm>>
        %dma_wait3A_52 = arith.constant 0 : i32
        %dma_wait3A_53 = tpu.memref_slice %arg3[%add3A_26, %dma_wait3A_52] : memref<2560x128xi32, #tpu.memory_space<hbm>> -> memref<40x128xi32, #tpu.memory_space<hbm>>
        tpu.wait_dma2 semaphore(%run_scoped3A : memref<!tpu.dma_semaphore, #tpu.memory_space<semaphore_mem>>) src(%dma_wait3A_53 : memref<40x128xi32, #tpu.memory_space<hbm>>) dst(%arg7 : memref<40x128xi32, #tpu.memory_space<vmem>>)
        tpu.yield
      }) : () -> ()
      %mul3A_27 = arith.constant 40 : i32
      %mul3A_28 = arith.muli %while3A_23, %mul3A_27 : i32
      %add3A_29 = arith.addi %select_n3A, %mul3A_28 : i32
      "tpu.region"() ({
        %run_scoped3A = tpu.sem_alloc : memref<!tpu.dma_semaphore, #tpu.memory_space<semaphore_mem>>
        %dma_start3A_46 = arith.constant 0 : i32
        %dma_start3A_47 = tpu.memref_slice %arg4[%add3A_29, %dma_start3A_46] : memref<2560x128xi32, #tpu.memory_space<hbm>> -> memref<40x128xi32, #tpu.memory_space<hbm>>
        %dma_start3A_48 = arith.constant 0 : i32
        %dma_start3A_49 = tpu.memref_slice %arg4[%add3A_29, %dma_start3A_48] : memref<2560x128xi32, #tpu.memory_space<hbm>> -> memref<40x128xi32, #tpu.memory_space<hbm>>
        tpu.enqueue_dma source(%dma_start3A_49 : memref<40x128xi32, #tpu.memory_space<hbm>>) target(%arg8 : memref<40x128xi32, #tpu.memory_space<vmem>>) target_semaphore(%run_scoped3A : memref<!tpu.dma_semaphore, #tpu.memory_space<semaphore_mem>>)
        %dma_wait3A_50 = arith.constant 0 : i32
        %dma_wait3A_51 = tpu.memref_slice %arg4[%add3A_29, %dma_wait3A_50] : memref<2560x128xi32, #tpu.memory_space<hbm>> -> memref<40x128xi32, #tpu.memory_space<hbm>>
        %dma_wait3A_52 = arith.constant 0 : i32
        %dma_wait3A_53 = tpu.memref_slice %arg4[%add3A_29, %dma_wait3A_52] : memref<2560x128xi32, #tpu.memory_space<hbm>> -> memref<40x128xi32, #tpu.memory_space<hbm>>
        tpu.wait_dma2 semaphore(%run_scoped3A : memref<!tpu.dma_semaphore, #tpu.memory_space<semaphore_mem>>) src(%dma_wait3A_53 : memref<40x128xi32, #tpu.memory_space<hbm>>) dst(%arg8 : memref<40x128xi32, #tpu.memory_space<vmem>>)
        tpu.yield
      }) : () -> ()
      %dma_start3A = arith.constant 0 : i32
      %dma_start3A_30 = arith.constant 0 : i32
      %dma_start3A_31 = tpu.memref_slice %arg7[%dma_start3A, %dma_start3A_30] : memref<40x128xi32, #tpu.memory_space<vmem>> -> memref<1x128xi32, #tpu.memory_space<vmem>>
      %dma_start3A_32 = tpu.memref_squeeze %dma_start3A_31 : memref<1x128xi32, #tpu.memory_space<vmem>> -> memref<128xi32, #tpu.memory_space<vmem>>
      %dma_start3A_33 = arith.constant 0 : i32
      %dma_start3A_34 = arith.constant 0 : i32
      %dma_start3A_35 = tpu.memref_slice %arg2[%dma_start3A_33, %dma_start3A_34] : memref<10240x128xf32, #tpu.memory_space<hbm>> -> memref<10240x128xf32, #tpu.memory_space<hbm>>
      tpu.enqueue_indirect_dma source(%dma_start3A_35 : memref<10240x128xf32, #tpu.memory_space<hbm>>) target(%arg9 : memref<128x128xf32, #tpu.memory_space<vmem>>) offsets(%dma_start3A_32 : memref<128xi32, #tpu.memory_space<vmem>>) semaphore(%arg12 : memref<!tpu.dma_semaphore, #tpu.memory_space<semaphore_mem>>)
      %scan3A = arith.constant 0 : i32
      %scan3A_36 = arith.constant 0 : i32
      %scan3A_37 = arith.constant 20 : i32
      %scan3A_38 = arith.addi %scan3A_36, %scan3A_37 : i32
      %scan3A_39 = arith.constant 1 : i32
      scf.for %scan3A_46 = %scan3A_36 to %scan3A_38 step %scan3A_39  : i32 {
        %mul3A_47 = arith.constant 2 : i32
        %mul3A_48 = arith.muli %mul3A_47, %scan3A_46 : i32
        %dma_wait3A_49 = arith.constant 0 : i32
        %dma_wait3A_50 = arith.constant 0 : i32
        %dma_wait3A_51 = tpu.memref_slice %arg2[%dma_wait3A_49, %dma_wait3A_50] : memref<10240x128xf32, #tpu.memory_space<hbm>> -> memref<128x128xf32, #tpu.memory_space<hbm>>
        %dma_wait3A_52 = arith.constant 0 : i32
        %dma_wait3A_53 = arith.constant 0 : i32
        %dma_wait3A_54 = tpu.memref_slice %arg2[%dma_wait3A_52, %dma_wait3A_53] : memref<10240x128xf32, #tpu.memory_space<hbm>> -> memref<128x128xf32, #tpu.memory_space<hbm>>
        tpu.wait_dma2 semaphore(%arg12 : memref<!tpu.dma_semaphore, #tpu.memory_space<semaphore_mem>>) src(%dma_wait3A_54 : memref<128x128xf32, #tpu.memory_space<hbm>>) dst(%arg9 : memref<128x128xf32, #tpu.memory_space<vmem>>)
        %gt3A = arith.constant 0 : i32
        %gt3A_55 = arith.cmpi sgt, %scan3A_46, %gt3A : i32
        %convert_element_type3A = arith.extui %gt3A_55 : i1 to i32
        %cond3A = arith.constant 0 : i32
        %cond3A_56 = arith.cmpi ne, %convert_element_type3A, %cond3A : i32
        scf.if %cond3A_56 {
          %dma_wait3A_95 = arith.constant 0 : i32
          %dma_wait3A_96 = arith.constant 0 : i32
          %dma_wait3A_97 = tpu.memref_slice %arg2[%dma_wait3A_95, %dma_wait3A_96] : memref<10240x128xf32, #tpu.memory_space<hbm>> -> memref<128x128xf32, #tpu.memory_space<hbm>>
          %dma_wait3A_98 = arith.constant 0 : i32
          %dma_wait3A_99 = arith.constant 0 : i32
          %dma_wait3A_100 = tpu.memref_slice %arg2[%dma_wait3A_98, %dma_wait3A_99] : memref<10240x128xf32, #tpu.memory_space<hbm>> -> memref<128x128xf32, #tpu.memory_space<hbm>>
          tpu.wait_dma2 semaphore(%arg13 : memref<!tpu.dma_semaphore, #tpu.memory_space<semaphore_mem>>) src(%dma_wait3A_100 : memref<128x128xf32, #tpu.memory_space<hbm>>) dst(%arg10 : memref<128x128xf32, #tpu.memory_space<vmem>>)
        } else {
        }
        %add3A_57 = arith.constant 1 : i32
        %add3A_58 = arith.addi %mul3A_48, %add3A_57 : i32
        %dma_start3A_59 = arith.constant 0 : i32
        %dma_start3A_60 = tpu.memref_slice %arg7[%add3A_58, %dma_start3A_59] : memref<40x128xi32, #tpu.memory_space<vmem>> -> memref<1x128xi32, #tpu.memory_space<vmem>>
        %dma_start3A_61 = tpu.memref_squeeze %dma_start3A_60 : memref<1x128xi32, #tpu.memory_space<vmem>> -> memref<128xi32, #tpu.memory_space<vmem>>
        %dma_start3A_62 = arith.constant 0 : i32
        %dma_start3A_63 = arith.constant 0 : i32
        %dma_start3A_64 = tpu.memref_slice %arg2[%dma_start3A_62, %dma_start3A_63] : memref<10240x128xf32, #tpu.memory_space<hbm>> -> memref<10240x128xf32, #tpu.memory_space<hbm>>
        tpu.enqueue_indirect_dma source(%dma_start3A_64 : memref<10240x128xf32, #tpu.memory_space<hbm>>) target(%arg10 : memref<128x128xf32, #tpu.memory_space<vmem>>) offsets(%dma_start3A_61 : memref<128xi32, #tpu.memory_space<vmem>>) semaphore(%arg12 : memref<!tpu.dma_semaphore, #tpu.memory_space<semaphore_mem>>)
        %dma_start3A_65 = arith.constant 0 : i32
        %dma_start3A_66 = tpu.memref_slice %arg8[%mul3A_48, %dma_start3A_65] : memref<40x128xi32, #tpu.memory_space<vmem>> -> memref<1x128xi32, #tpu.memory_space<vmem>>
        %dma_start3A_67 = tpu.memref_squeeze %dma_start3A_66 : memref<1x128xi32, #tpu.memory_space<vmem>> -> memref<128xi32, #tpu.memory_space<vmem>>
        %dma_start3A_68 = arith.constant 0 : i32
        %dma_start3A_69 = arith.constant 0 : i32
        %dma_start3A_70 = tpu.memref_slice %arg11[%dma_start3A_68, %dma_start3A_69] : memref<10240x128xf32, #tpu.memory_space<vmem_shared>> -> memref<10240x128xf32, #tpu.memory_space<vmem_shared>>
        tpu.enqueue_indirect_dma source(%arg9 : memref<128x128xf32, #tpu.memory_space<vmem>>) target(%dma_start3A_70 : memref<10240x128xf32, #tpu.memory_space<vmem_shared>>) offsets(%dma_start3A_67 : memref<128xi32, #tpu.memory_space<vmem>>) semaphore(%arg13 : memref<!tpu.dma_semaphore, #tpu.memory_space<semaphore_mem>>) {add = true}
        %dma_wait3A_71 = arith.constant 0 : i32
        %dma_wait3A_72 = arith.constant 0 : i32
        %dma_wait3A_73 = tpu.memref_slice %arg2[%dma_wait3A_71, %dma_wait3A_72] : memref<10240x128xf32, #tpu.memory_space<hbm>> -> memref<128x128xf32, #tpu.memory_space<hbm>>
        %dma_wait3A_74 = arith.constant 0 : i32
        %dma_wait3A_75 = arith.constant 0 : i32
        %dma_wait3A_76 = tpu.memref_slice %arg2[%dma_wait3A_74, %dma_wait3A_75] : memref<10240x128xf32, #tpu.memory_space<hbm>> -> memref<128x128xf32, #tpu.memory_space<hbm>>
        tpu.wait_dma2 semaphore(%arg12 : memref<!tpu.dma_semaphore, #tpu.memory_space<semaphore_mem>>) src(%dma_wait3A_76 : memref<128x128xf32, #tpu.memory_space<hbm>>) dst(%arg10 : memref<128x128xf32, #tpu.memory_space<vmem>>)
        %dma_wait3A_77 = arith.constant 0 : i32
        %dma_wait3A_78 = arith.constant 0 : i32
        %dma_wait3A_79 = tpu.memref_slice %arg2[%dma_wait3A_77, %dma_wait3A_78] : memref<10240x128xf32, #tpu.memory_space<hbm>> -> memref<128x128xf32, #tpu.memory_space<hbm>>
        %dma_wait3A_80 = arith.constant 0 : i32
        %dma_wait3A_81 = arith.constant 0 : i32
        %dma_wait3A_82 = tpu.memref_slice %arg2[%dma_wait3A_80, %dma_wait3A_81] : memref<10240x128xf32, #tpu.memory_space<hbm>> -> memref<128x128xf32, #tpu.memory_space<hbm>>
        tpu.wait_dma2 semaphore(%arg13 : memref<!tpu.dma_semaphore, #tpu.memory_space<semaphore_mem>>) src(%dma_wait3A_82 : memref<128x128xf32, #tpu.memory_space<hbm>>) dst(%arg9 : memref<128x128xf32, #tpu.memory_space<vmem>>)
        %lt3A = arith.constant 19 : i32
        %lt3A_83 = arith.cmpi slt, %scan3A_46, %lt3A : i32
        %convert_element_type3A_84 = arith.extui %lt3A_83 : i1 to i32
        %cond3A_85 = arith.constant 0 : i32
        %cond3A_86 = arith.cmpi ne, %convert_element_type3A_84, %cond3A_85 : i32
        scf.if %cond3A_86 {
          %add3A_95 = arith.constant 2 : i32
          %add3A_96 = arith.addi %mul3A_48, %add3A_95 : i32
          %dma_start3A_97 = arith.constant 0 : i32
          %dma_start3A_98 = tpu.memref_slice %arg7[%add3A_96, %dma_start3A_97] : memref<40x128xi32, #tpu.memory_space<vmem>> -> memref<1x128xi32, #tpu.memory_space<vmem>>
          %dma_start3A_99 = tpu.memref_squeeze %dma_start3A_98 : memref<1x128xi32, #tpu.memory_space<vmem>> -> memref<128xi32, #tpu.memory_space<vmem>>
          %dma_start3A_100 = arith.constant 0 : i32
          %dma_start3A_101 = arith.constant 0 : i32
          %dma_start3A_102 = tpu.memref_slice %arg2[%dma_start3A_100, %dma_start3A_101] : memref<10240x128xf32, #tpu.memory_space<hbm>> -> memref<10240x128xf32, #tpu.memory_space<hbm>>
          tpu.enqueue_indirect_dma source(%dma_start3A_102 : memref<10240x128xf32, #tpu.memory_space<hbm>>) target(%arg9 : memref<128x128xf32, #tpu.memory_space<vmem>>) offsets(%dma_start3A_99 : memref<128xi32, #tpu.memory_space<vmem>>) semaphore(%arg12 : memref<!tpu.dma_semaphore, #tpu.memory_space<semaphore_mem>>)
        } else {
        }
        %add3A_87 = arith.constant 1 : i32
        %add3A_88 = arith.addi %mul3A_48, %add3A_87 : i32
        %dma_start3A_89 = arith.constant 0 : i32
        %dma_start3A_90 = tpu.memref_slice %arg8[%add3A_88, %dma_start3A_89] : memref<40x128xi32, #tpu.memory_space<vmem>> -> memref<1x128xi32, #tpu.memory_space<vmem>>
        %dma_start3A_91 = tpu.memref_squeeze %dma_start3A_90 : memref<1x128xi32, #tpu.memory_space<vmem>> -> memref<128xi32, #tpu.memory_space<vmem>>
        %dma_start3A_92 = arith.constant 0 : i32
        %dma_start3A_93 = arith.constant 0 : i32
        %dma_start3A_94 = tpu.memref_slice %arg11[%dma_start3A_92, %dma_start3A_93] : memref<10240x128xf32, #tpu.memory_space<vmem_shared>> -> memref<10240x128xf32, #tpu.memory_space<vmem_shared>>
        tpu.enqueue_indirect_dma source(%arg10 : memref<128x128xf32, #tpu.memory_space<vmem>>) target(%dma_start3A_94 : memref<10240x128xf32, #tpu.memory_space<vmem_shared>>) offsets(%dma_start3A_91 : memref<128xi32, #tpu.memory_space<vmem>>) semaphore(%arg13 : memref<!tpu.dma_semaphore, #tpu.memory_space<semaphore_mem>>) {add = true}
      }
      %scan3A_40 = arith.constant 20 : i32
      %dma_wait3A = arith.constant 0 : i32
      %dma_wait3A_41 = arith.constant 0 : i32
      %dma_wait3A_42 = tpu.memref_slice %arg2[%dma_wait3A, %dma_wait3A_41] : memref<10240x128xf32, #tpu.memory_space<hbm>> -> memref<128x128xf32, #tpu.memory_space<hbm>>
      %dma_wait3A_43 = arith.constant 0 : i32
      %dma_wait3A_44 = arith.constant 0 : i32
      %dma_wait3A_45 = tpu.memref_slice %arg2[%dma_wait3A_43, %dma_wait3A_44] : memref<10240x128xf32, #tpu.memory_space<hbm>> -> memref<128x128xf32, #tpu.memory_space<hbm>>
      tpu.wait_dma2 semaphore(%arg13 : memref<!tpu.dma_semaphore, #tpu.memory_space<semaphore_mem>>) src(%dma_wait3A_45 : memref<128x128xf32, #tpu.memory_space<hbm>>) dst(%arg10 : memref<128x128xf32, #tpu.memory_space<vmem>>)
    }
    %while3A_19 = arith.constant 1 : i32
    scf.for %while3A_23 = %while3A_17 to %while3A_13 step %while3A_19  : i32 {
      %mul3A_24 = arith.constant 40 : i32
      %mul3A_25 = arith.muli %while3A_23, %mul3A_24 : i32
      %add3A_26 = arith.addi %select_n3A, %mul3A_25 : i32
      "tpu.region"() ({
        %run_scoped3A = tpu.sem_alloc : memref<!tpu.dma_semaphore, #tpu.memory_space<semaphore_mem>>
        %dma_start3A_46 = arith.constant 0 : i32
        %dma_start3A_47 = tpu.memref_slice %arg3[%add3A_26, %dma_start3A_46] : memref<2560x128xi32, #tpu.memory_space<hbm>> -> memref<40x128xi32, #tpu.memory_space<hbm>>
        %dma_start3A_48 = arith.constant 0 : i32
        %dma_start3A_49 = tpu.memref_slice %arg3[%add3A_26, %dma_start3A_48] : memref<2560x128xi32, #tpu.memory_space<hbm>> -> memref<40x128xi32, #tpu.memory_space<hbm>>
        tpu.enqueue_dma source(%dma_start3A_49 : memref<40x128xi32, #tpu.memory_space<hbm>>) target(%arg7 : memref<40x128xi32, #tpu.memory_space<vmem>>) target_semaphore(%run_scoped3A : memref<!tpu.dma_semaphore, #tpu.memory_space<semaphore_mem>>)
        %dma_wait3A_50 = arith.constant 0 : i32
        %dma_wait3A_51 = tpu.memref_slice %arg3[%add3A_26, %dma_wait3A_50] : memref<2560x128xi32, #tpu.memory_space<hbm>> -> memref<40x128xi32, #tpu.memory_space<hbm>>
        %dma_wait3A_52 = arith.constant 0 : i32
        %dma_wait3A_53 = tpu.memref_slice %arg3[%add3A_26, %dma_wait3A_52] : memref<2560x128xi32, #tpu.memory_space<hbm>> -> memref<40x128xi32, #tpu.memory_space<hbm>>
        tpu.wait_dma2 semaphore(%run_scoped3A : memref<!tpu.dma_semaphore, #tpu.memory_space<semaphore_mem>>) src(%dma_wait3A_53 : memref<40x128xi32, #tpu.memory_space<hbm>>) dst(%arg7 : memref<40x128xi32, #tpu.memory_space<vmem>>)
        tpu.yield
      }) : () -> ()
      %mul3A_27 = arith.constant 40 : i32
      %mul3A_28 = arith.muli %while3A_23, %mul3A_27 : i32
      %add3A_29 = arith.addi %select_n3A, %mul3A_28 : i32
      "tpu.region"() ({
        %run_scoped3A = tpu.sem_alloc : memref<!tpu.dma_semaphore, #tpu.memory_space<semaphore_mem>>
        %dma_start3A_46 = arith.constant 0 : i32
        %dma_start3A_47 = tpu.memref_slice %arg4[%add3A_29, %dma_start3A_46] : memref<2560x128xi32, #tpu.memory_space<hbm>> -> memref<40x128xi32, #tpu.memory_space<hbm>>
        %dma_start3A_48 = arith.constant 0 : i32
        %dma_start3A_49 = tpu.memref_slice %arg4[%add3A_29, %dma_start3A_48] : memref<2560x128xi32, #tpu.memory_space<hbm>> -> memref<40x128xi32, #tpu.memory_space<hbm>>
        tpu.enqueue_dma source(%dma_start3A_49 : memref<40x128xi32, #tpu.memory_space<hbm>>) target(%arg8 : memref<40x128xi32, #tpu.memory_space<vmem>>) target_semaphore(%run_scoped3A : memref<!tpu.dma_semaphore, #tpu.memory_space<semaphore_mem>>)
        %dma_wait3A_50 = arith.constant 0 : i32
        %dma_wait3A_51 = tpu.memref_slice %arg4[%add3A_29, %dma_wait3A_50] : memref<2560x128xi32, #tpu.memory_space<hbm>> -> memref<40x128xi32, #tpu.memory_space<hbm>>
        %dma_wait3A_52 = arith.constant 0 : i32
        %dma_wait3A_53 = tpu.memref_slice %arg4[%add3A_29, %dma_wait3A_52] : memref<2560x128xi32, #tpu.memory_space<hbm>> -> memref<40x128xi32, #tpu.memory_space<hbm>>
        tpu.wait_dma2 semaphore(%run_scoped3A : memref<!tpu.dma_semaphore, #tpu.memory_space<semaphore_mem>>) src(%dma_wait3A_53 : memref<40x128xi32, #tpu.memory_space<hbm>>) dst(%arg8 : memref<40x128xi32, #tpu.memory_space<vmem>>)
        tpu.yield
      }) : () -> ()
      %dma_start3A = arith.constant 0 : i32
      %dma_start3A_30 = arith.constant 0 : i32
      %dma_start3A_31 = tpu.memref_slice %arg7[%dma_start3A, %dma_start3A_30] : memref<40x128xi32, #tpu.memory_space<vmem>> -> memref<1x128xi32, #tpu.memory_space<vmem>>
      %dma_start3A_32 = tpu.memref_squeeze %dma_start3A_31 : memref<1x128xi32, #tpu.memory_space<vmem>> -> memref<128xi32, #tpu.memory_space<vmem>>
      %dma_start3A_33 = arith.constant 0 : i32
      %dma_start3A_34 = arith.constant 0 : i32
      %dma_start3A_35 = tpu.memref_slice %arg2[%dma_start3A_33, %dma_start3A_34] : memref<10240x128xf32, #tpu.memory_space<hbm>> -> memref<10240x128xf32, #tpu.memory_space<hbm>>
      tpu.enqueue_indirect_dma source(%dma_start3A_35 : memref<10240x128xf32, #tpu.memory_space<hbm>>) target(%arg9 : memref<128x128xf32, #tpu.memory_space<vmem>>) offsets(%dma_start3A_32 : memref<128xi32, #tpu.memory_space<vmem>>) semaphore(%arg12 : memref<!tpu.dma_semaphore, #tpu.memory_space<semaphore_mem>>)
      %scan3A = arith.constant 0 : i32
      %scan3A_36 = arith.constant 0 : i32
      %scan3A_37 = arith.constant 20 : i32
      %scan3A_38 = arith.addi %scan3A_36, %scan3A_37 : i32
      %scan3A_39 = arith.constant 1 : i32
      scf.for %scan3A_46 = %scan3A_36 to %scan3A_38 step %scan3A_39  : i32 {
        %mul3A_47 = arith.constant 2 : i32
        %mul3A_48 = arith.muli %mul3A_47, %scan3A_46 : i32
        %dma_wait3A_49 = arith.constant 0 : i32
        %dma_wait3A_50 = arith.constant 0 : i32
        %dma_wait3A_51 = tpu.memref_slice %arg2[%dma_wait3A_49, %dma_wait3A_50] : memref<10240x128xf32, #tpu.memory_space<hbm>> -> memref<128x128xf32, #tpu.memory_space<hbm>>
        %dma_wait3A_52 = arith.constant 0 : i32
        %dma_wait3A_53 = arith.constant 0 : i32
        %dma_wait3A_54 = tpu.memref_slice %arg2[%dma_wait3A_52, %dma_wait3A_53] : memref<10240x128xf32, #tpu.memory_space<hbm>> -> memref<128x128xf32, #tpu.memory_space<hbm>>
        tpu.wait_dma2 semaphore(%arg12 : memref<!tpu.dma_semaphore, #tpu.memory_space<semaphore_mem>>) src(%dma_wait3A_54 : memref<128x128xf32, #tpu.memory_space<hbm>>) dst(%arg9 : memref<128x128xf32, #tpu.memory_space<vmem>>)
        %gt3A = arith.constant 0 : i32
        %gt3A_55 = arith.cmpi sgt, %scan3A_46, %gt3A : i32
        %convert_element_type3A = arith.extui %gt3A_55 : i1 to i32
        %cond3A = arith.constant 0 : i32
        %cond3A_56 = arith.cmpi ne, %convert_element_type3A, %cond3A : i32
        scf.if %cond3A_56 {
          %dma_wait3A_95 = arith.constant 0 : i32
          %dma_wait3A_96 = arith.constant 0 : i32
          %dma_wait3A_97 = tpu.memref_slice %arg2[%dma_wait3A_95, %dma_wait3A_96] : memref<10240x128xf32, #tpu.memory_space<hbm>> -> memref<128x128xf32, #tpu.memory_space<hbm>>
          %dma_wait3A_98 = arith.constant 0 : i32
          %dma_wait3A_99 = arith.constant 0 : i32
          %dma_wait3A_100 = tpu.memref_slice %arg2[%dma_wait3A_98, %dma_wait3A_99] : memref<10240x128xf32, #tpu.memory_space<hbm>> -> memref<128x128xf32, #tpu.memory_space<hbm>>
          tpu.wait_dma2 semaphore(%arg13 : memref<!tpu.dma_semaphore, #tpu.memory_space<semaphore_mem>>) src(%dma_wait3A_100 : memref<128x128xf32, #tpu.memory_space<hbm>>) dst(%arg10 : memref<128x128xf32, #tpu.memory_space<vmem>>)
        } else {
        }
        %add3A_57 = arith.constant 1 : i32
        %add3A_58 = arith.addi %mul3A_48, %add3A_57 : i32
        %dma_start3A_59 = arith.constant 0 : i32
        %dma_start3A_60 = tpu.memref_slice %arg7[%add3A_58, %dma_start3A_59] : memref<40x128xi32, #tpu.memory_space<vmem>> -> memref<1x128xi32, #tpu.memory_space<vmem>>
        %dma_start3A_61 = tpu.memref_squeeze %dma_start3A_60 : memref<1x128xi32, #tpu.memory_space<vmem>> -> memref<128xi32, #tpu.memory_space<vmem>>
        %dma_start3A_62 = arith.constant 0 : i32
        %dma_start3A_63 = arith.constant 0 : i32
        %dma_start3A_64 = tpu.memref_slice %arg2[%dma_start3A_62, %dma_start3A_63] : memref<10240x128xf32, #tpu.memory_space<hbm>> -> memref<10240x128xf32, #tpu.memory_space<hbm>>
        tpu.enqueue_indirect_dma source(%dma_start3A_64 : memref<10240x128xf32, #tpu.memory_space<hbm>>) target(%arg10 : memref<128x128xf32, #tpu.memory_space<vmem>>) offsets(%dma_start3A_61 : memref<128xi32, #tpu.memory_space<vmem>>) semaphore(%arg12 : memref<!tpu.dma_semaphore, #tpu.memory_space<semaphore_mem>>)
        %dma_start3A_65 = arith.constant 0 : i32
        %dma_start3A_66 = tpu.memref_slice %arg8[%mul3A_48, %dma_start3A_65] : memref<40x128xi32, #tpu.memory_space<vmem>> -> memref<1x128xi32, #tpu.memory_space<vmem>>
        %dma_start3A_67 = tpu.memref_squeeze %dma_start3A_66 : memref<1x128xi32, #tpu.memory_space<vmem>> -> memref<128xi32, #tpu.memory_space<vmem>>
        %dma_start3A_68 = arith.constant 0 : i32
        %dma_start3A_69 = arith.constant 0 : i32
        %dma_start3A_70 = tpu.memref_slice %arg11[%dma_start3A_68, %dma_start3A_69] : memref<10240x128xf32, #tpu.memory_space<vmem_shared>> -> memref<10240x128xf32, #tpu.memory_space<vmem_shared>>
        tpu.enqueue_indirect_dma source(%arg9 : memref<128x128xf32, #tpu.memory_space<vmem>>) target(%dma_start3A_70 : memref<10240x128xf32, #tpu.memory_space<vmem_shared>>) offsets(%dma_start3A_67 : memref<128xi32, #tpu.memory_space<vmem>>) semaphore(%arg13 : memref<!tpu.dma_semaphore, #tpu.memory_space<semaphore_mem>>) {add = true}
        %dma_wait3A_71 = arith.constant 0 : i32
        %dma_wait3A_72 = arith.constant 0 : i32
        %dma_wait3A_73 = tpu.memref_slice %arg2[%dma_wait3A_71, %dma_wait3A_72] : memref<10240x128xf32, #tpu.memory_space<hbm>> -> memref<128x128xf32, #tpu.memory_space<hbm>>
        %dma_wait3A_74 = arith.constant 0 : i32
        %dma_wait3A_75 = arith.constant 0 : i32
        %dma_wait3A_76 = tpu.memref_slice %arg2[%dma_wait3A_74, %dma_wait3A_75] : memref<10240x128xf32, #tpu.memory_space<hbm>> -> memref<128x128xf32, #tpu.memory_space<hbm>>
        tpu.wait_dma2 semaphore(%arg12 : memref<!tpu.dma_semaphore, #tpu.memory_space<semaphore_mem>>) src(%dma_wait3A_76 : memref<128x128xf32, #tpu.memory_space<hbm>>) dst(%arg10 : memref<128x128xf32, #tpu.memory_space<vmem>>)
        %dma_wait3A_77 = arith.constant 0 : i32
        %dma_wait3A_78 = arith.constant 0 : i32
        %dma_wait3A_79 = tpu.memref_slice %arg2[%dma_wait3A_77, %dma_wait3A_78] : memref<10240x128xf32, #tpu.memory_space<hbm>> -> memref<128x128xf32, #tpu.memory_space<hbm>>
        %dma_wait3A_80 = arith.constant 0 : i32
        %dma_wait3A_81 = arith.constant 0 : i32
        %dma_wait3A_82 = tpu.memref_slice %arg2[%dma_wait3A_80, %dma_wait3A_81] : memref<10240x128xf32, #tpu.memory_space<hbm>> -> memref<128x128xf32, #tpu.memory_space<hbm>>
        tpu.wait_dma2 semaphore(%arg13 : memref<!tpu.dma_semaphore, #tpu.memory_space<semaphore_mem>>) src(%dma_wait3A_82 : memref<128x128xf32, #tpu.memory_space<hbm>>) dst(%arg9 : memref<128x128xf32, #tpu.memory_space<vmem>>)
        %lt3A = arith.constant 19 : i32
        %lt3A_83 = arith.cmpi slt, %scan3A_46, %lt3A : i32
        %convert_element_type3A_84 = arith.extui %lt3A_83 : i1 to i32
        %cond3A_85 = arith.constant 0 : i32
        %cond3A_86 = arith.cmpi ne, %convert_element_type3A_84, %cond3A_85 : i32
        scf.if %cond3A_86 {
          %add3A_95 = arith.constant 2 : i32
          %add3A_96 = arith.addi %mul3A_48, %add3A_95 : i32
          %dma_start3A_97 = arith.constant 0 : i32
          %dma_start3A_98 = tpu.memref_slice %arg7[%add3A_96, %dma_start3A_97] : memref<40x128xi32, #tpu.memory_space<vmem>> -> memref<1x128xi32, #tpu.memory_space<vmem>>
          %dma_start3A_99 = tpu.memref_squeeze %dma_start3A_98 : memref<1x128xi32, #tpu.memory_space<vmem>> -> memref<128xi32, #tpu.memory_space<vmem>>
          %dma_start3A_100 = arith.constant 0 : i32
          %dma_start3A_101 = arith.constant 0 : i32
          %dma_start3A_102 = tpu.memref_slice %arg2[%dma_start3A_100, %dma_start3A_101] : memref<10240x128xf32, #tpu.memory_space<hbm>> -> memref<10240x128xf32, #tpu.memory_space<hbm>>
          tpu.enqueue_indirect_dma source(%dma_start3A_102 : memref<10240x128xf32, #tpu.memory_space<hbm>>) target(%arg9 : memref<128x128xf32, #tpu.memory_space<vmem>>) offsets(%dma_start3A_99 : memref<128xi32, #tpu.memory_space<vmem>>) semaphore(%arg12 : memref<!tpu.dma_semaphore, #tpu.memory_space<semaphore_mem>>)
        } else {
        }
        %add3A_87 = arith.constant 1 : i32
        %add3A_88 = arith.addi %mul3A_48, %add3A_87 : i32
        %dma_start3A_89 = arith.constant 0 : i32
        %dma_start3A_90 = tpu.memref_slice %arg8[%add3A_88, %dma_start3A_89] : memref<40x128xi32, #tpu.memory_space<vmem>> -> memref<1x128xi32, #tpu.memory_space<vmem>>
        %dma_start3A_91 = tpu.memref_squeeze %dma_start3A_90 : memref<1x128xi32, #tpu.memory_space<vmem>> -> memref<128xi32, #tpu.memory_space<vmem>>
        %dma_start3A_92 = arith.constant 0 : i32
        %dma_start3A_93 = arith.constant 0 : i32
        %dma_start3A_94 = tpu.memref_slice %arg11[%dma_start3A_92, %dma_start3A_93] : memref<10240x128xf32, #tpu.memory_space<vmem_shared>> -> memref<10240x128xf32, #tpu.memory_space<vmem_shared>>
        tpu.enqueue_indirect_dma source(%arg10 : memref<128x128xf32, #tpu.memory_space<vmem>>) target(%dma_start3A_94 : memref<10240x128xf32, #tpu.memory_space<vmem_shared>>) offsets(%dma_start3A_91 : memref<128xi32, #tpu.memory_space<vmem>>) semaphore(%arg13 : memref<!tpu.dma_semaphore, #tpu.memory_space<semaphore_mem>>) {add = true}
      }
      %scan3A_40 = arith.constant 20 : i32
      %dma_wait3A = arith.constant 0 : i32
      %dma_wait3A_41 = arith.constant 0 : i32
      %dma_wait3A_42 = tpu.memref_slice %arg2[%dma_wait3A, %dma_wait3A_41] : memref<10240x128xf32, #tpu.memory_space<hbm>> -> memref<128x128xf32, #tpu.memory_space<hbm>>
      %dma_wait3A_43 = arith.constant 0 : i32
      %dma_wait3A_44 = arith.constant 0 : i32
      %dma_wait3A_45 = tpu.memref_slice %arg2[%dma_wait3A_43, %dma_wait3A_44] : memref<10240x128xf32, #tpu.memory_space<hbm>> -> memref<128x128xf32, #tpu.memory_space<hbm>>
      tpu.wait_dma2 semaphore(%arg13 : memref<!tpu.dma_semaphore, #tpu.memory_space<semaphore_mem>>) src(%dma_wait3A_45 : memref<128x128xf32, #tpu.memory_space<hbm>>) dst(%arg10 : memref<128x128xf32, #tpu.memory_space<vmem>>)
    }
    %barrier3A_20 = arith.constant 0 : index
    tpu.barrier barrier_id(%barrier3A_20)
    %mul3A_21 = arith.constant 640 : i32
    %mul3A_22 = arith.muli %arg1, %mul3A_21 : i32
    "tpu.region"() ({
      %run_scoped3A = tpu.sem_alloc : memref<!tpu.dma_semaphore, #tpu.memory_space<semaphore_mem>>
      %dma_start3A = arith.constant 0 : i32
      %dma_start3A_23 = tpu.memref_slice %arg6[%arg0, %mul3A_22, %dma_start3A] : memref<2x10240x128xf32, #tpu.memory_space<hbm>> -> memref<1x640x128xf32, #tpu.memory_space<hbm>>
      %dma_start3A_24 = tpu.memref_squeeze %dma_start3A_23 : memref<1x640x128xf32, #tpu.memory_space<hbm>> -> memref<640x128xf32, #tpu.memory_space<hbm>>
      %dma_start3A_25 = arith.constant 0 : i32
      %dma_start3A_26 = tpu.memref_slice %arg11[%mul3A_22, %dma_start3A_25] : memref<10240x128xf32, #tpu.memory_space<vmem_shared>> -> memref<640x128xf32, #tpu.memory_space<vmem_shared>>
      tpu.enqueue_dma source(%dma_start3A_26 : memref<640x128xf32, #tpu.memory_space<vmem_shared>>) target(%dma_start3A_24 : memref<640x128xf32, #tpu.memory_space<hbm>>) target_semaphore(%run_scoped3A : memref<!tpu.dma_semaphore, #tpu.memory_space<semaphore_mem>>)
      %dma_wait3A = arith.constant 0 : i32
      %dma_wait3A_27 = tpu.memref_slice %arg6[%arg0, %mul3A_22, %dma_wait3A] : memref<2x10240x128xf32, #tpu.memory_space<hbm>> -> memref<1x640x128xf32, #tpu.memory_space<hbm>>
      %dma_wait3A_28 = tpu.memref_squeeze %dma_wait3A_27 : memref<1x640x128xf32, #tpu.memory_space<hbm>> -> memref<640x128xf32, #tpu.memory_space<hbm>>
      %dma_wait3A_29 = arith.constant 0 : i32
      %dma_wait3A_30 = tpu.memref_slice %arg11[%mul3A_22, %dma_wait3A_29] : memref<10240x128xf32, #tpu.memory_space<vmem_shared>> -> memref<640x128xf32, #tpu.memory_space<vmem_shared>>
      tpu.wait_dma2 semaphore(%run_scoped3A : memref<!tpu.dma_semaphore, #tpu.memory_space<semaphore_mem>>) src(%dma_wait3A_30 : memref<640x128xf32, #tpu.memory_space<vmem_shared>>) dst(%dma_wait3A_28 : memref<640x128xf32, #tpu.memory_space<hbm>>)
      tpu.yield
    }) : () -> ()
    return
  }
}

#map = affine_map<(d0, d1) -> (0, 0)>
#map1 = affine_map<(d0, d1) -> (0)>
#map2 = affine_map<(d0, d1) -> (0, 0, 0)>
module attributes {stable_mosaic.version = 14 : i64} {
  func.func @_agg2(%arg0: i32, %arg1: i32, %arg2: memref<10240x128xf32, #tpu.memory_space<hbm>>, %arg3: memref<2560x128xi32, #tpu.memory_space<hbm>>, %arg4: memref<2560x128xi32, #tpu.memory_space<hbm>>, %arg5: memref<640x128xf32, #tpu.memory_space<hbm>>, %arg6: memref<1024xi32, #tpu.memory_space<hbm>>, %arg7: memref<10240x128xf32, #tpu.memory_space<hbm>>, %arg8: memref<2x1024x128xf32, #tpu.memory_space<hbm>>, %arg9: memref<1024x128xf32, #tpu.memory_space<hbm>>, %arg10: memref<1024x128xf32, #tpu.memory_space<hbm>>, %arg11: memref<40x128xi32, #tpu.memory_space<vmem>>, %arg12: memref<40x128xi32, #tpu.memory_space<vmem>>, %arg13: memref<128x128xf32, #tpu.memory_space<vmem>>, %arg14: memref<128x128xf32, #tpu.memory_space<vmem>>, %arg15: memref<64xi32, #tpu.memory_space<vmem>>, %arg16: memref<10240x128xf32, #tpu.memory_space<vmem_shared>>, %arg17: memref<!tpu.dma_semaphore, #tpu.memory_space<semaphore_mem>>, %arg18: memref<!tpu.dma_semaphore, #tpu.memory_space<semaphore_mem>>) attributes {dimension_semantics = [#tpu.dimension_semantics<core_parallel>, #tpu.dimension_semantics<subcore_parallel>], iteration_bounds = array<i64: 2, 16>, scalar_prefetch = 0 : i64, scratch_operands = 8 : i64, tpu.core_type = #tpu.core_type<sc_vector_subcore>, window_params = [{transform_indices = #map}, {transform_indices = #map}, {transform_indices = #map}, {transform_indices = #map}, {transform_indices = #map1}, {transform_indices = #map}, {transform_indices = #map2}, {transform_indices = #map}, {transform_indices = #map}]} {
    %mul3A = arith.constant 640 : i32
    %mul3A_0 = arith.muli %arg1, %mul3A : i32
    "tpu.region"() ({
      %run_scoped3A = tpu.sem_alloc : memref<!tpu.dma_semaphore, #tpu.memory_space<semaphore_mem>>
      %dma_start3A_40 = arith.constant 0 : i32
      %dma_start3A_41 = tpu.memref_slice %arg16[%mul3A_0, %dma_start3A_40] : memref<10240x128xf32, #tpu.memory_space<vmem_shared>> -> memref<640x128xf32, #tpu.memory_space<vmem_shared>>
      tpu.enqueue_dma source(%arg5 : memref<640x128xf32, #tpu.memory_space<hbm>>) target(%dma_start3A_41 : memref<640x128xf32, #tpu.memory_space<vmem_shared>>) target_semaphore(%run_scoped3A : memref<!tpu.dma_semaphore, #tpu.memory_space<semaphore_mem>>)
      %dma_wait3A_42 = arith.constant 0 : i32
      %dma_wait3A_43 = tpu.memref_slice %arg16[%mul3A_0, %dma_wait3A_42] : memref<10240x128xf32, #tpu.memory_space<vmem_shared>> -> memref<640x128xf32, #tpu.memory_space<vmem_shared>>
      tpu.wait_dma2 semaphore(%run_scoped3A : memref<!tpu.dma_semaphore, #tpu.memory_space<semaphore_mem>>) src(%arg5 : memref<640x128xf32, #tpu.memory_space<hbm>>) dst(%dma_wait3A_43 : memref<640x128xf32, #tpu.memory_space<vmem_shared>>)
      tpu.yield
    }) : () -> ()
    %barrier3A = arith.constant 0 : index
    tpu.barrier barrier_id(%barrier3A)
    %eq3A = arith.constant 0 : i32
    %eq3A_1 = arith.cmpi eq, %arg0, %eq3A : i32
    %mul3A_2 = arith.constant 120 : i32
    %mul3A_3 = arith.muli %arg1, %mul3A_2 : i32
    %mul3A_4 = arith.constant 40 : i32
    %mul3A_5 = arith.muli %arg1, %mul3A_4 : i32
    %add3A = arith.constant 1920 : i32
    %add3A_6 = arith.addi %add3A, %mul3A_5 : i32
    %select_n3A = arith.select %eq3A_1, %mul3A_3, %add3A_6 : i32
    %eq3A_7 = arith.constant 0 : i32
    %eq3A_8 = arith.cmpi eq, %arg0, %eq3A_7 : i32
    %jit3A = arith.constant 3 : i32
    %jit3A_9 = arith.constant 1 : i32
    %select_n3A_10 = arith.select %eq3A_8, %jit3A, %jit3A_9 : i32
    %while3A = arith.constant 0 : i32
    %while3A_11 = arith.constant 0 : i32
    %while3A_12 = arith.subi %select_n3A_10, %while3A_11 : i32
    %while3A_13 = arith.addi %while3A_11, %while3A_12 : i32
    %while3A_14 = arith.constant 1 : i32
    %while3A_15 = arith.divsi %while3A_12, %while3A_14 : i32
    %while3A_16 = arith.muli %while3A_15, %while3A_14 : i32
    %while3A_17 = arith.addi %while3A_11, %while3A_16 : i32
    %while3A_18 = arith.constant 1 : i32
    scf.for %while3A_40 = %while3A_11 to %while3A_17 step %while3A_18  : i32 {
      %mul3A_41 = arith.constant 40 : i32
      %mul3A_42 = arith.muli %while3A_40, %mul3A_41 : i32
      %add3A_43 = arith.addi %select_n3A, %mul3A_42 : i32
      "tpu.region"() ({
        %run_scoped3A = tpu.sem_alloc : memref<!tpu.dma_semaphore, #tpu.memory_space<semaphore_mem>>
        %dma_start3A_65 = arith.constant 0 : i32
        %dma_start3A_66 = tpu.memref_slice %arg3[%add3A_43, %dma_start3A_65] : memref<2560x128xi32, #tpu.memory_space<hbm>> -> memref<40x128xi32, #tpu.memory_space<hbm>>
        %dma_start3A_67 = arith.constant 0 : i32
        %dma_start3A_68 = tpu.memref_slice %arg3[%add3A_43, %dma_start3A_67] : memref<2560x128xi32, #tpu.memory_space<hbm>> -> memref<40x128xi32, #tpu.memory_space<hbm>>
        tpu.enqueue_dma source(%dma_start3A_68 : memref<40x128xi32, #tpu.memory_space<hbm>>) target(%arg11 : memref<40x128xi32, #tpu.memory_space<vmem>>) target_semaphore(%run_scoped3A : memref<!tpu.dma_semaphore, #tpu.memory_space<semaphore_mem>>)
        %dma_wait3A_69 = arith.constant 0 : i32
        %dma_wait3A_70 = tpu.memref_slice %arg3[%add3A_43, %dma_wait3A_69] : memref<2560x128xi32, #tpu.memory_space<hbm>> -> memref<40x128xi32, #tpu.memory_space<hbm>>
        %dma_wait3A_71 = arith.constant 0 : i32
        %dma_wait3A_72 = tpu.memref_slice %arg3[%add3A_43, %dma_wait3A_71] : memref<2560x128xi32, #tpu.memory_space<hbm>> -> memref<40x128xi32, #tpu.memory_space<hbm>>
        tpu.wait_dma2 semaphore(%run_scoped3A : memref<!tpu.dma_semaphore, #tpu.memory_space<semaphore_mem>>) src(%dma_wait3A_72 : memref<40x128xi32, #tpu.memory_space<hbm>>) dst(%arg11 : memref<40x128xi32, #tpu.memory_space<vmem>>)
        tpu.yield
      }) : () -> ()
      %mul3A_44 = arith.constant 40 : i32
      %mul3A_45 = arith.muli %while3A_40, %mul3A_44 : i32
      %add3A_46 = arith.addi %select_n3A, %mul3A_45 : i32
      "tpu.region"() ({
        %run_scoped3A = tpu.sem_alloc : memref<!tpu.dma_semaphore, #tpu.memory_space<semaphore_mem>>
        %dma_start3A_65 = arith.constant 0 : i32
        %dma_start3A_66 = tpu.memref_slice %arg4[%add3A_46, %dma_start3A_65] : memref<2560x128xi32, #tpu.memory_space<hbm>> -> memref<40x128xi32, #tpu.memory_space<hbm>>
        %dma_start3A_67 = arith.constant 0 : i32
        %dma_start3A_68 = tpu.memref_slice %arg4[%add3A_46, %dma_start3A_67] : memref<2560x128xi32, #tpu.memory_space<hbm>> -> memref<40x128xi32, #tpu.memory_space<hbm>>
        tpu.enqueue_dma source(%dma_start3A_68 : memref<40x128xi32, #tpu.memory_space<hbm>>) target(%arg12 : memref<40x128xi32, #tpu.memory_space<vmem>>) target_semaphore(%run_scoped3A : memref<!tpu.dma_semaphore, #tpu.memory_space<semaphore_mem>>)
        %dma_wait3A_69 = arith.constant 0 : i32
        %dma_wait3A_70 = tpu.memref_slice %arg4[%add3A_46, %dma_wait3A_69] : memref<2560x128xi32, #tpu.memory_space<hbm>> -> memref<40x128xi32, #tpu.memory_space<hbm>>
        %dma_wait3A_71 = arith.constant 0 : i32
        %dma_wait3A_72 = tpu.memref_slice %arg4[%add3A_46, %dma_wait3A_71] : memref<2560x128xi32, #tpu.memory_space<hbm>> -> memref<40x128xi32, #tpu.memory_space<hbm>>
        tpu.wait_dma2 semaphore(%run_scoped3A : memref<!tpu.dma_semaphore, #tpu.memory_space<semaphore_mem>>) src(%dma_wait3A_72 : memref<40x128xi32, #tpu.memory_space<hbm>>) dst(%arg12 : memref<40x128xi32, #tpu.memory_space<vmem>>)
        tpu.yield
      }) : () -> ()
      %dma_start3A_47 = arith.constant 0 : i32
      %dma_start3A_48 = arith.constant 0 : i32
      %dma_start3A_49 = tpu.memref_slice %arg11[%dma_start3A_47, %dma_start3A_48] : memref<40x128xi32, #tpu.memory_space<vmem>> -> memref<1x128xi32, #tpu.memory_space<vmem>>
      %dma_start3A_50 = tpu.memref_squeeze %dma_start3A_49 : memref<1x128xi32, #tpu.memory_space<vmem>> -> memref<128xi32, #tpu.memory_space<vmem>>
      %dma_start3A_51 = arith.constant 0 : i32
      %dma_start3A_52 = arith.constant 0 : i32
      %dma_start3A_53 = tpu.memref_slice %arg2[%dma_start3A_51, %dma_start3A_52] : memref<10240x128xf32, #tpu.memory_space<hbm>> -> memref<10240x128xf32, #tpu.memory_space<hbm>>
      tpu.enqueue_indirect_dma source(%dma_start3A_53 : memref<10240x128xf32, #tpu.memory_space<hbm>>) target(%arg13 : memref<128x128xf32, #tpu.memory_space<vmem>>) offsets(%dma_start3A_50 : memref<128xi32, #tpu.memory_space<vmem>>) semaphore(%arg17 : memref<!tpu.dma_semaphore, #tpu.memory_space<semaphore_mem>>)
      %scan3A = arith.constant 0 : i32
      %scan3A_54 = arith.constant 0 : i32
      %scan3A_55 = arith.constant 20 : i32
      %scan3A_56 = arith.addi %scan3A_54, %scan3A_55 : i32
      %scan3A_57 = arith.constant 1 : i32
      scf.for %scan3A_65 = %scan3A_54 to %scan3A_56 step %scan3A_57  : i32 {
        %mul3A_66 = arith.constant 2 : i32
        %mul3A_67 = arith.muli %mul3A_66, %scan3A_65 : i32
        %dma_wait3A_68 = arith.constant 0 : i32
        %dma_wait3A_69 = arith.constant 0 : i32
        %dma_wait3A_70 = tpu.memref_slice %arg2[%dma_wait3A_68, %dma_wait3A_69] : memref<10240x128xf32, #tpu.memory_space<hbm>> -> memref<128x128xf32, #tpu.memory_space<hbm>>
        %dma_wait3A_71 = arith.constant 0 : i32
        %dma_wait3A_72 = arith.constant 0 : i32
        %dma_wait3A_73 = tpu.memref_slice %arg2[%dma_wait3A_71, %dma_wait3A_72] : memref<10240x128xf32, #tpu.memory_space<hbm>> -> memref<128x128xf32, #tpu.memory_space<hbm>>
        tpu.wait_dma2 semaphore(%arg17 : memref<!tpu.dma_semaphore, #tpu.memory_space<semaphore_mem>>) src(%dma_wait3A_73 : memref<128x128xf32, #tpu.memory_space<hbm>>) dst(%arg13 : memref<128x128xf32, #tpu.memory_space<vmem>>)
        %gt3A = arith.constant 0 : i32
        %gt3A_74 = arith.cmpi sgt, %scan3A_65, %gt3A : i32
        %convert_element_type3A_75 = arith.extui %gt3A_74 : i1 to i32
        %cond3A_76 = arith.constant 0 : i32
        %cond3A_77 = arith.cmpi ne, %convert_element_type3A_75, %cond3A_76 : i32
        scf.if %cond3A_77 {
          %dma_wait3A_116 = arith.constant 0 : i32
          %dma_wait3A_117 = arith.constant 0 : i32
          %dma_wait3A_118 = tpu.memref_slice %arg2[%dma_wait3A_116, %dma_wait3A_117] : memref<10240x128xf32, #tpu.memory_space<hbm>> -> memref<128x128xf32, #tpu.memory_space<hbm>>
          %dma_wait3A_119 = arith.constant 0 : i32
          %dma_wait3A_120 = arith.constant 0 : i32
          %dma_wait3A_121 = tpu.memref_slice %arg2[%dma_wait3A_119, %dma_wait3A_120] : memref<10240x128xf32, #tpu.memory_space<hbm>> -> memref<128x128xf32, #tpu.memory_space<hbm>>
          tpu.wait_dma2 semaphore(%arg18 : memref<!tpu.dma_semaphore, #tpu.memory_space<semaphore_mem>>) src(%dma_wait3A_121 : memref<128x128xf32, #tpu.memory_space<hbm>>) dst(%arg14 : memref<128x128xf32, #tpu.memory_space<vmem>>)
        } else {
        }
        %add3A_78 = arith.constant 1 : i32
        %add3A_79 = arith.addi %mul3A_67, %add3A_78 : i32
        %dma_start3A_80 = arith.constant 0 : i32
        %dma_start3A_81 = tpu.memref_slice %arg11[%add3A_79, %dma_start3A_80] : memref<40x128xi32, #tpu.memory_space<vmem>> -> memref<1x128xi32, #tpu.memory_space<vmem>>
        %dma_start3A_82 = tpu.memref_squeeze %dma_start3A_81 : memref<1x128xi32, #tpu.memory_space<vmem>> -> memref<128xi32, #tpu.memory_space<vmem>>
        %dma_start3A_83 = arith.constant 0 : i32
        %dma_start3A_84 = arith.constant 0 : i32
        %dma_start3A_85 = tpu.memref_slice %arg2[%dma_start3A_83, %dma_start3A_84] : memref<10240x128xf32, #tpu.memory_space<hbm>> -> memref<10240x128xf32, #tpu.memory_space<hbm>>
        tpu.enqueue_indirect_dma source(%dma_start3A_85 : memref<10240x128xf32, #tpu.memory_space<hbm>>) target(%arg14 : memref<128x128xf32, #tpu.memory_space<vmem>>) offsets(%dma_start3A_82 : memref<128xi32, #tpu.memory_space<vmem>>) semaphore(%arg17 : memref<!tpu.dma_semaphore, #tpu.memory_space<semaphore_mem>>)
        %dma_start3A_86 = arith.constant 0 : i32
        %dma_start3A_87 = tpu.memref_slice %arg12[%mul3A_67, %dma_start3A_86] : memref<40x128xi32, #tpu.memory_space<vmem>> -> memref<1x128xi32, #tpu.memory_space<vmem>>
        %dma_start3A_88 = tpu.memref_squeeze %dma_start3A_87 : memref<1x128xi32, #tpu.memory_space<vmem>> -> memref<128xi32, #tpu.memory_space<vmem>>
        %dma_start3A_89 = arith.constant 0 : i32
        %dma_start3A_90 = arith.constant 0 : i32
        %dma_start3A_91 = tpu.memref_slice %arg16[%dma_start3A_89, %dma_start3A_90] : memref<10240x128xf32, #tpu.memory_space<vmem_shared>> -> memref<10240x128xf32, #tpu.memory_space<vmem_shared>>
        tpu.enqueue_indirect_dma source(%arg13 : memref<128x128xf32, #tpu.memory_space<vmem>>) target(%dma_start3A_91 : memref<10240x128xf32, #tpu.memory_space<vmem_shared>>) offsets(%dma_start3A_88 : memref<128xi32, #tpu.memory_space<vmem>>) semaphore(%arg18 : memref<!tpu.dma_semaphore, #tpu.memory_space<semaphore_mem>>) {add = true}
        %dma_wait3A_92 = arith.constant 0 : i32
        %dma_wait3A_93 = arith.constant 0 : i32
        %dma_wait3A_94 = tpu.memref_slice %arg2[%dma_wait3A_92, %dma_wait3A_93] : memref<10240x128xf32, #tpu.memory_space<hbm>> -> memref<128x128xf32, #tpu.memory_space<hbm>>
        %dma_wait3A_95 = arith.constant 0 : i32
        %dma_wait3A_96 = arith.constant 0 : i32
        %dma_wait3A_97 = tpu.memref_slice %arg2[%dma_wait3A_95, %dma_wait3A_96] : memref<10240x128xf32, #tpu.memory_space<hbm>> -> memref<128x128xf32, #tpu.memory_space<hbm>>
        tpu.wait_dma2 semaphore(%arg17 : memref<!tpu.dma_semaphore, #tpu.memory_space<semaphore_mem>>) src(%dma_wait3A_97 : memref<128x128xf32, #tpu.memory_space<hbm>>) dst(%arg14 : memref<128x128xf32, #tpu.memory_space<vmem>>)
        %dma_wait3A_98 = arith.constant 0 : i32
        %dma_wait3A_99 = arith.constant 0 : i32
        %dma_wait3A_100 = tpu.memref_slice %arg2[%dma_wait3A_98, %dma_wait3A_99] : memref<10240x128xf32, #tpu.memory_space<hbm>> -> memref<128x128xf32, #tpu.memory_space<hbm>>
        %dma_wait3A_101 = arith.constant 0 : i32
        %dma_wait3A_102 = arith.constant 0 : i32
        %dma_wait3A_103 = tpu.memref_slice %arg2[%dma_wait3A_101, %dma_wait3A_102] : memref<10240x128xf32, #tpu.memory_space<hbm>> -> memref<128x128xf32, #tpu.memory_space<hbm>>
        tpu.wait_dma2 semaphore(%arg18 : memref<!tpu.dma_semaphore, #tpu.memory_space<semaphore_mem>>) src(%dma_wait3A_103 : memref<128x128xf32, #tpu.memory_space<hbm>>) dst(%arg13 : memref<128x128xf32, #tpu.memory_space<vmem>>)
        %lt3A = arith.constant 19 : i32
        %lt3A_104 = arith.cmpi slt, %scan3A_65, %lt3A : i32
        %convert_element_type3A_105 = arith.extui %lt3A_104 : i1 to i32
        %cond3A_106 = arith.constant 0 : i32
        %cond3A_107 = arith.cmpi ne, %convert_element_type3A_105, %cond3A_106 : i32
        scf.if %cond3A_107 {
          %add3A_116 = arith.constant 2 : i32
          %add3A_117 = arith.addi %mul3A_67, %add3A_116 : i32
          %dma_start3A_118 = arith.constant 0 : i32
          %dma_start3A_119 = tpu.memref_slice %arg11[%add3A_117, %dma_start3A_118] : memref<40x128xi32, #tpu.memory_space<vmem>> -> memref<1x128xi32, #tpu.memory_space<vmem>>
          %dma_start3A_120 = tpu.memref_squeeze %dma_start3A_119 : memref<1x128xi32, #tpu.memory_space<vmem>> -> memref<128xi32, #tpu.memory_space<vmem>>
          %dma_start3A_121 = arith.constant 0 : i32
          %dma_start3A_122 = arith.constant 0 : i32
          %dma_start3A_123 = tpu.memref_slice %arg2[%dma_start3A_121, %dma_start3A_122] : memref<10240x128xf32, #tpu.memory_space<hbm>> -> memref<10240x128xf32, #tpu.memory_space<hbm>>
          tpu.enqueue_indirect_dma source(%dma_start3A_123 : memref<10240x128xf32, #tpu.memory_space<hbm>>) target(%arg13 : memref<128x128xf32, #tpu.memory_space<vmem>>) offsets(%dma_start3A_120 : memref<128xi32, #tpu.memory_space<vmem>>) semaphore(%arg17 : memref<!tpu.dma_semaphore, #tpu.memory_space<semaphore_mem>>)
        } else {
        }
        %add3A_108 = arith.constant 1 : i32
        %add3A_109 = arith.addi %mul3A_67, %add3A_108 : i32
        %dma_start3A_110 = arith.constant 0 : i32
        %dma_start3A_111 = tpu.memref_slice %arg12[%add3A_109, %dma_start3A_110] : memref<40x128xi32, #tpu.memory_space<vmem>> -> memref<1x128xi32, #tpu.memory_space<vmem>>
        %dma_start3A_112 = tpu.memref_squeeze %dma_start3A_111 : memref<1x128xi32, #tpu.memory_space<vmem>> -> memref<128xi32, #tpu.memory_space<vmem>>
        %dma_start3A_113 = arith.constant 0 : i32
        %dma_start3A_114 = arith.constant 0 : i32
        %dma_start3A_115 = tpu.memref_slice %arg16[%dma_start3A_113, %dma_start3A_114] : memref<10240x128xf32, #tpu.memory_space<vmem_shared>> -> memref<10240x128xf32, #tpu.memory_space<vmem_shared>>
        tpu.enqueue_indirect_dma source(%arg14 : memref<128x128xf32, #tpu.memory_space<vmem>>) target(%dma_start3A_115 : memref<10240x128xf32, #tpu.memory_space<vmem_shared>>) offsets(%dma_start3A_112 : memref<128xi32, #tpu.memory_space<vmem>>) semaphore(%arg18 : memref<!tpu.dma_semaphore, #tpu.memory_space<semaphore_mem>>) {add = true}
      }
      %scan3A_58 = arith.constant 20 : i32
      %dma_wait3A_59 = arith.constant 0 : i32
      %dma_wait3A_60 = arith.constant 0 : i32
      %dma_wait3A_61 = tpu.memref_slice %arg2[%dma_wait3A_59, %dma_wait3A_60] : memref<10240x128xf32, #tpu.memory_space<hbm>> -> memref<128x128xf32, #tpu.memory_space<hbm>>
      %dma_wait3A_62 = arith.constant 0 : i32
      %dma_wait3A_63 = arith.constant 0 : i32
      %dma_wait3A_64 = tpu.memref_slice %arg2[%dma_wait3A_62, %dma_wait3A_63] : memref<10240x128xf32, #tpu.memory_space<hbm>> -> memref<128x128xf32, #tpu.memory_space<hbm>>
      tpu.wait_dma2 semaphore(%arg18 : memref<!tpu.dma_semaphore, #tpu.memory_space<semaphore_mem>>) src(%dma_wait3A_64 : memref<128x128xf32, #tpu.memory_space<hbm>>) dst(%arg14 : memref<128x128xf32, #tpu.memory_space<vmem>>)
    }
    %while3A_19 = arith.constant 1 : i32
    scf.for %while3A_40 = %while3A_17 to %while3A_13 step %while3A_19  : i32 {
      %mul3A_41 = arith.constant 40 : i32
      %mul3A_42 = arith.muli %while3A_40, %mul3A_41 : i32
      %add3A_43 = arith.addi %select_n3A, %mul3A_42 : i32
      "tpu.region"() ({
        %run_scoped3A = tpu.sem_alloc : memref<!tpu.dma_semaphore, #tpu.memory_space<semaphore_mem>>
        %dma_start3A_65 = arith.constant 0 : i32
        %dma_start3A_66 = tpu.memref_slice %arg3[%add3A_43, %dma_start3A_65] : memref<2560x128xi32, #tpu.memory_space<hbm>> -> memref<40x128xi32, #tpu.memory_space<hbm>>
        %dma_start3A_67 = arith.constant 0 : i32
        %dma_start3A_68 = tpu.memref_slice %arg3[%add3A_43, %dma_start3A_67] : memref<2560x128xi32, #tpu.memory_space<hbm>> -> memref<40x128xi32, #tpu.memory_space<hbm>>
        tpu.enqueue_dma source(%dma_start3A_68 : memref<40x128xi32, #tpu.memory_space<hbm>>) target(%arg11 : memref<40x128xi32, #tpu.memory_space<vmem>>) target_semaphore(%run_scoped3A : memref<!tpu.dma_semaphore, #tpu.memory_space<semaphore_mem>>)
        %dma_wait3A_69 = arith.constant 0 : i32
        %dma_wait3A_70 = tpu.memref_slice %arg3[%add3A_43, %dma_wait3A_69] : memref<2560x128xi32, #tpu.memory_space<hbm>> -> memref<40x128xi32, #tpu.memory_space<hbm>>
        %dma_wait3A_71 = arith.constant 0 : i32
        %dma_wait3A_72 = tpu.memref_slice %arg3[%add3A_43, %dma_wait3A_71] : memref<2560x128xi32, #tpu.memory_space<hbm>> -> memref<40x128xi32, #tpu.memory_space<hbm>>
        tpu.wait_dma2 semaphore(%run_scoped3A : memref<!tpu.dma_semaphore, #tpu.memory_space<semaphore_mem>>) src(%dma_wait3A_72 : memref<40x128xi32, #tpu.memory_space<hbm>>) dst(%arg11 : memref<40x128xi32, #tpu.memory_space<vmem>>)
        tpu.yield
      }) : () -> ()
      %mul3A_44 = arith.constant 40 : i32
      %mul3A_45 = arith.muli %while3A_40, %mul3A_44 : i32
      %add3A_46 = arith.addi %select_n3A, %mul3A_45 : i32
      "tpu.region"() ({
        %run_scoped3A = tpu.sem_alloc : memref<!tpu.dma_semaphore, #tpu.memory_space<semaphore_mem>>
        %dma_start3A_65 = arith.constant 0 : i32
        %dma_start3A_66 = tpu.memref_slice %arg4[%add3A_46, %dma_start3A_65] : memref<2560x128xi32, #tpu.memory_space<hbm>> -> memref<40x128xi32, #tpu.memory_space<hbm>>
        %dma_start3A_67 = arith.constant 0 : i32
        %dma_start3A_68 = tpu.memref_slice %arg4[%add3A_46, %dma_start3A_67] : memref<2560x128xi32, #tpu.memory_space<hbm>> -> memref<40x128xi32, #tpu.memory_space<hbm>>
        tpu.enqueue_dma source(%dma_start3A_68 : memref<40x128xi32, #tpu.memory_space<hbm>>) target(%arg12 : memref<40x128xi32, #tpu.memory_space<vmem>>) target_semaphore(%run_scoped3A : memref<!tpu.dma_semaphore, #tpu.memory_space<semaphore_mem>>)
        %dma_wait3A_69 = arith.constant 0 : i32
        %dma_wait3A_70 = tpu.memref_slice %arg4[%add3A_46, %dma_wait3A_69] : memref<2560x128xi32, #tpu.memory_space<hbm>> -> memref<40x128xi32, #tpu.memory_space<hbm>>
        %dma_wait3A_71 = arith.constant 0 : i32
        %dma_wait3A_72 = tpu.memref_slice %arg4[%add3A_46, %dma_wait3A_71] : memref<2560x128xi32, #tpu.memory_space<hbm>> -> memref<40x128xi32, #tpu.memory_space<hbm>>
        tpu.wait_dma2 semaphore(%run_scoped3A : memref<!tpu.dma_semaphore, #tpu.memory_space<semaphore_mem>>) src(%dma_wait3A_72 : memref<40x128xi32, #tpu.memory_space<hbm>>) dst(%arg12 : memref<40x128xi32, #tpu.memory_space<vmem>>)
        tpu.yield
      }) : () -> ()
      %dma_start3A_47 = arith.constant 0 : i32
      %dma_start3A_48 = arith.constant 0 : i32
      %dma_start3A_49 = tpu.memref_slice %arg11[%dma_start3A_47, %dma_start3A_48] : memref<40x128xi32, #tpu.memory_space<vmem>> -> memref<1x128xi32, #tpu.memory_space<vmem>>
      %dma_start3A_50 = tpu.memref_squeeze %dma_start3A_49 : memref<1x128xi32, #tpu.memory_space<vmem>> -> memref<128xi32, #tpu.memory_space<vmem>>
      %dma_start3A_51 = arith.constant 0 : i32
      %dma_start3A_52 = arith.constant 0 : i32
      %dma_start3A_53 = tpu.memref_slice %arg2[%dma_start3A_51, %dma_start3A_52] : memref<10240x128xf32, #tpu.memory_space<hbm>> -> memref<10240x128xf32, #tpu.memory_space<hbm>>
      tpu.enqueue_indirect_dma source(%dma_start3A_53 : memref<10240x128xf32, #tpu.memory_space<hbm>>) target(%arg13 : memref<128x128xf32, #tpu.memory_space<vmem>>) offsets(%dma_start3A_50 : memref<128xi32, #tpu.memory_space<vmem>>) semaphore(%arg17 : memref<!tpu.dma_semaphore, #tpu.memory_space<semaphore_mem>>)
      %scan3A = arith.constant 0 : i32
      %scan3A_54 = arith.constant 0 : i32
      %scan3A_55 = arith.constant 20 : i32
      %scan3A_56 = arith.addi %scan3A_54, %scan3A_55 : i32
      %scan3A_57 = arith.constant 1 : i32
      scf.for %scan3A_65 = %scan3A_54 to %scan3A_56 step %scan3A_57  : i32 {
        %mul3A_66 = arith.constant 2 : i32
        %mul3A_67 = arith.muli %mul3A_66, %scan3A_65 : i32
        %dma_wait3A_68 = arith.constant 0 : i32
        %dma_wait3A_69 = arith.constant 0 : i32
        %dma_wait3A_70 = tpu.memref_slice %arg2[%dma_wait3A_68, %dma_wait3A_69] : memref<10240x128xf32, #tpu.memory_space<hbm>> -> memref<128x128xf32, #tpu.memory_space<hbm>>
        %dma_wait3A_71 = arith.constant 0 : i32
        %dma_wait3A_72 = arith.constant 0 : i32
        %dma_wait3A_73 = tpu.memref_slice %arg2[%dma_wait3A_71, %dma_wait3A_72] : memref<10240x128xf32, #tpu.memory_space<hbm>> -> memref<128x128xf32, #tpu.memory_space<hbm>>
        tpu.wait_dma2 semaphore(%arg17 : memref<!tpu.dma_semaphore, #tpu.memory_space<semaphore_mem>>) src(%dma_wait3A_73 : memref<128x128xf32, #tpu.memory_space<hbm>>) dst(%arg13 : memref<128x128xf32, #tpu.memory_space<vmem>>)
        %gt3A = arith.constant 0 : i32
        %gt3A_74 = arith.cmpi sgt, %scan3A_65, %gt3A : i32
        %convert_element_type3A_75 = arith.extui %gt3A_74 : i1 to i32
        %cond3A_76 = arith.constant 0 : i32
        %cond3A_77 = arith.cmpi ne, %convert_element_type3A_75, %cond3A_76 : i32
        scf.if %cond3A_77 {
          %dma_wait3A_116 = arith.constant 0 : i32
          %dma_wait3A_117 = arith.constant 0 : i32
          %dma_wait3A_118 = tpu.memref_slice %arg2[%dma_wait3A_116, %dma_wait3A_117] : memref<10240x128xf32, #tpu.memory_space<hbm>> -> memref<128x128xf32, #tpu.memory_space<hbm>>
          %dma_wait3A_119 = arith.constant 0 : i32
          %dma_wait3A_120 = arith.constant 0 : i32
          %dma_wait3A_121 = tpu.memref_slice %arg2[%dma_wait3A_119, %dma_wait3A_120] : memref<10240x128xf32, #tpu.memory_space<hbm>> -> memref<128x128xf32, #tpu.memory_space<hbm>>
          tpu.wait_dma2 semaphore(%arg18 : memref<!tpu.dma_semaphore, #tpu.memory_space<semaphore_mem>>) src(%dma_wait3A_121 : memref<128x128xf32, #tpu.memory_space<hbm>>) dst(%arg14 : memref<128x128xf32, #tpu.memory_space<vmem>>)
        } else {
        }
        %add3A_78 = arith.constant 1 : i32
        %add3A_79 = arith.addi %mul3A_67, %add3A_78 : i32
        %dma_start3A_80 = arith.constant 0 : i32
        %dma_start3A_81 = tpu.memref_slice %arg11[%add3A_79, %dma_start3A_80] : memref<40x128xi32, #tpu.memory_space<vmem>> -> memref<1x128xi32, #tpu.memory_space<vmem>>
        %dma_start3A_82 = tpu.memref_squeeze %dma_start3A_81 : memref<1x128xi32, #tpu.memory_space<vmem>> -> memref<128xi32, #tpu.memory_space<vmem>>
        %dma_start3A_83 = arith.constant 0 : i32
        %dma_start3A_84 = arith.constant 0 : i32
        %dma_start3A_85 = tpu.memref_slice %arg2[%dma_start3A_83, %dma_start3A_84] : memref<10240x128xf32, #tpu.memory_space<hbm>> -> memref<10240x128xf32, #tpu.memory_space<hbm>>
        tpu.enqueue_indirect_dma source(%dma_start3A_85 : memref<10240x128xf32, #tpu.memory_space<hbm>>) target(%arg14 : memref<128x128xf32, #tpu.memory_space<vmem>>) offsets(%dma_start3A_82 : memref<128xi32, #tpu.memory_space<vmem>>) semaphore(%arg17 : memref<!tpu.dma_semaphore, #tpu.memory_space<semaphore_mem>>)
        %dma_start3A_86 = arith.constant 0 : i32
        %dma_start3A_87 = tpu.memref_slice %arg12[%mul3A_67, %dma_start3A_86] : memref<40x128xi32, #tpu.memory_space<vmem>> -> memref<1x128xi32, #tpu.memory_space<vmem>>
        %dma_start3A_88 = tpu.memref_squeeze %dma_start3A_87 : memref<1x128xi32, #tpu.memory_space<vmem>> -> memref<128xi32, #tpu.memory_space<vmem>>
        %dma_start3A_89 = arith.constant 0 : i32
        %dma_start3A_90 = arith.constant 0 : i32
        %dma_start3A_91 = tpu.memref_slice %arg16[%dma_start3A_89, %dma_start3A_90] : memref<10240x128xf32, #tpu.memory_space<vmem_shared>> -> memref<10240x128xf32, #tpu.memory_space<vmem_shared>>
        tpu.enqueue_indirect_dma source(%arg13 : memref<128x128xf32, #tpu.memory_space<vmem>>) target(%dma_start3A_91 : memref<10240x128xf32, #tpu.memory_space<vmem_shared>>) offsets(%dma_start3A_88 : memref<128xi32, #tpu.memory_space<vmem>>) semaphore(%arg18 : memref<!tpu.dma_semaphore, #tpu.memory_space<semaphore_mem>>) {add = true}
        %dma_wait3A_92 = arith.constant 0 : i32
        %dma_wait3A_93 = arith.constant 0 : i32
        %dma_wait3A_94 = tpu.memref_slice %arg2[%dma_wait3A_92, %dma_wait3A_93] : memref<10240x128xf32, #tpu.memory_space<hbm>> -> memref<128x128xf32, #tpu.memory_space<hbm>>
        %dma_wait3A_95 = arith.constant 0 : i32
        %dma_wait3A_96 = arith.constant 0 : i32
        %dma_wait3A_97 = tpu.memref_slice %arg2[%dma_wait3A_95, %dma_wait3A_96] : memref<10240x128xf32, #tpu.memory_space<hbm>> -> memref<128x128xf32, #tpu.memory_space<hbm>>
        tpu.wait_dma2 semaphore(%arg17 : memref<!tpu.dma_semaphore, #tpu.memory_space<semaphore_mem>>) src(%dma_wait3A_97 : memref<128x128xf32, #tpu.memory_space<hbm>>) dst(%arg14 : memref<128x128xf32, #tpu.memory_space<vmem>>)
        %dma_wait3A_98 = arith.constant 0 : i32
        %dma_wait3A_99 = arith.constant 0 : i32
        %dma_wait3A_100 = tpu.memref_slice %arg2[%dma_wait3A_98, %dma_wait3A_99] : memref<10240x128xf32, #tpu.memory_space<hbm>> -> memref<128x128xf32, #tpu.memory_space<hbm>>
        %dma_wait3A_101 = arith.constant 0 : i32
        %dma_wait3A_102 = arith.constant 0 : i32
        %dma_wait3A_103 = tpu.memref_slice %arg2[%dma_wait3A_101, %dma_wait3A_102] : memref<10240x128xf32, #tpu.memory_space<hbm>> -> memref<128x128xf32, #tpu.memory_space<hbm>>
        tpu.wait_dma2 semaphore(%arg18 : memref<!tpu.dma_semaphore, #tpu.memory_space<semaphore_mem>>) src(%dma_wait3A_103 : memref<128x128xf32, #tpu.memory_space<hbm>>) dst(%arg13 : memref<128x128xf32, #tpu.memory_space<vmem>>)
        %lt3A = arith.constant 19 : i32
        %lt3A_104 = arith.cmpi slt, %scan3A_65, %lt3A : i32
        %convert_element_type3A_105 = arith.extui %lt3A_104 : i1 to i32
        %cond3A_106 = arith.constant 0 : i32
        %cond3A_107 = arith.cmpi ne, %convert_element_type3A_105, %cond3A_106 : i32
        scf.if %cond3A_107 {
          %add3A_116 = arith.constant 2 : i32
          %add3A_117 = arith.addi %mul3A_67, %add3A_116 : i32
          %dma_start3A_118 = arith.constant 0 : i32
          %dma_start3A_119 = tpu.memref_slice %arg11[%add3A_117, %dma_start3A_118] : memref<40x128xi32, #tpu.memory_space<vmem>> -> memref<1x128xi32, #tpu.memory_space<vmem>>
          %dma_start3A_120 = tpu.memref_squeeze %dma_start3A_119 : memref<1x128xi32, #tpu.memory_space<vmem>> -> memref<128xi32, #tpu.memory_space<vmem>>
          %dma_start3A_121 = arith.constant 0 : i32
          %dma_start3A_122 = arith.constant 0 : i32
          %dma_start3A_123 = tpu.memref_slice %arg2[%dma_start3A_121, %dma_start3A_122] : memref<10240x128xf32, #tpu.memory_space<hbm>> -> memref<10240x128xf32, #tpu.memory_space<hbm>>
          tpu.enqueue_indirect_dma source(%dma_start3A_123 : memref<10240x128xf32, #tpu.memory_space<hbm>>) target(%arg13 : memref<128x128xf32, #tpu.memory_space<vmem>>) offsets(%dma_start3A_120 : memref<128xi32, #tpu.memory_space<vmem>>) semaphore(%arg17 : memref<!tpu.dma_semaphore, #tpu.memory_space<semaphore_mem>>)
        } else {
        }
        %add3A_108 = arith.constant 1 : i32
        %add3A_109 = arith.addi %mul3A_67, %add3A_108 : i32
        %dma_start3A_110 = arith.constant 0 : i32
        %dma_start3A_111 = tpu.memref_slice %arg12[%add3A_109, %dma_start3A_110] : memref<40x128xi32, #tpu.memory_space<vmem>> -> memref<1x128xi32, #tpu.memory_space<vmem>>
        %dma_start3A_112 = tpu.memref_squeeze %dma_start3A_111 : memref<1x128xi32, #tpu.memory_space<vmem>> -> memref<128xi32, #tpu.memory_space<vmem>>
        %dma_start3A_113 = arith.constant 0 : i32
        %dma_start3A_114 = arith.constant 0 : i32
        %dma_start3A_115 = tpu.memref_slice %arg16[%dma_start3A_113, %dma_start3A_114] : memref<10240x128xf32, #tpu.memory_space<vmem_shared>> -> memref<10240x128xf32, #tpu.memory_space<vmem_shared>>
        tpu.enqueue_indirect_dma source(%arg14 : memref<128x128xf32, #tpu.memory_space<vmem>>) target(%dma_start3A_115 : memref<10240x128xf32, #tpu.memory_space<vmem_shared>>) offsets(%dma_start3A_112 : memref<128xi32, #tpu.memory_space<vmem>>) semaphore(%arg18 : memref<!tpu.dma_semaphore, #tpu.memory_space<semaphore_mem>>) {add = true}
      }
      %scan3A_58 = arith.constant 20 : i32
      %dma_wait3A_59 = arith.constant 0 : i32
      %dma_wait3A_60 = arith.constant 0 : i32
      %dma_wait3A_61 = tpu.memref_slice %arg2[%dma_wait3A_59, %dma_wait3A_60] : memref<10240x128xf32, #tpu.memory_space<hbm>> -> memref<128x128xf32, #tpu.memory_space<hbm>>
      %dma_wait3A_62 = arith.constant 0 : i32
      %dma_wait3A_63 = arith.constant 0 : i32
      %dma_wait3A_64 = tpu.memref_slice %arg2[%dma_wait3A_62, %dma_wait3A_63] : memref<10240x128xf32, #tpu.memory_space<hbm>> -> memref<128x128xf32, #tpu.memory_space<hbm>>
      tpu.wait_dma2 semaphore(%arg18 : memref<!tpu.dma_semaphore, #tpu.memory_space<semaphore_mem>>) src(%dma_wait3A_64 : memref<128x128xf32, #tpu.memory_space<hbm>>) dst(%arg14 : memref<128x128xf32, #tpu.memory_space<vmem>>)
    }
    %barrier3A_20 = arith.constant 0 : index
    tpu.barrier barrier_id(%barrier3A_20)
    %mul3A_21 = arith.constant 64 : i32
    %mul3A_22 = arith.muli %arg1, %mul3A_21 : i32
    "tpu.region"() ({
      %run_scoped3A = tpu.sem_alloc : memref<!tpu.dma_semaphore, #tpu.memory_space<semaphore_mem>>
      %dma_start3A_40 = tpu.memref_slice %arg6[%mul3A_22] : memref<1024xi32, #tpu.memory_space<hbm>> -> memref<64xi32, #tpu.memory_space<hbm>>
      %dma_start3A_41 = tpu.memref_slice %arg6[%mul3A_22] : memref<1024xi32, #tpu.memory_space<hbm>> -> memref<64xi32, #tpu.memory_space<hbm>>
      tpu.enqueue_dma source(%dma_start3A_41 : memref<64xi32, #tpu.memory_space<hbm>>) target(%arg15 : memref<64xi32, #tpu.memory_space<vmem>>) target_semaphore(%run_scoped3A : memref<!tpu.dma_semaphore, #tpu.memory_space<semaphore_mem>>)
      %dma_wait3A_42 = tpu.memref_slice %arg6[%mul3A_22] : memref<1024xi32, #tpu.memory_space<hbm>> -> memref<64xi32, #tpu.memory_space<hbm>>
      %dma_wait3A_43 = tpu.memref_slice %arg6[%mul3A_22] : memref<1024xi32, #tpu.memory_space<hbm>> -> memref<64xi32, #tpu.memory_space<hbm>>
      tpu.wait_dma2 semaphore(%run_scoped3A : memref<!tpu.dma_semaphore, #tpu.memory_space<semaphore_mem>>) src(%dma_wait3A_43 : memref<64xi32, #tpu.memory_space<hbm>>) dst(%arg15 : memref<64xi32, #tpu.memory_space<vmem>>)
      tpu.yield
    }) : () -> ()
    %dma_start3A = arith.constant 0 : i32
    %dma_start3A_23 = arith.constant 0 : i32
    %dma_start3A_24 = tpu.memref_slice %arg13[%dma_start3A, %dma_start3A_23] : memref<128x128xf32, #tpu.memory_space<vmem>> -> memref<64x128xf32, #tpu.memory_space<vmem>>
    %dma_start3A_25 = arith.constant 0 : i32
    %dma_start3A_26 = arith.constant 0 : i32
    %dma_start3A_27 = tpu.memref_slice %arg16[%dma_start3A_25, %dma_start3A_26] : memref<10240x128xf32, #tpu.memory_space<vmem_shared>> -> memref<10240x128xf32, #tpu.memory_space<vmem_shared>>
    tpu.enqueue_indirect_dma source(%dma_start3A_27 : memref<10240x128xf32, #tpu.memory_space<vmem_shared>>) target(%dma_start3A_24 : memref<64x128xf32, #tpu.memory_space<vmem>>) offsets(%arg15 : memref<64xi32, #tpu.memory_space<vmem>>) semaphore(%arg17 : memref<!tpu.dma_semaphore, #tpu.memory_space<semaphore_mem>>)
    %dma_wait3A = arith.constant 0 : i32
    %dma_wait3A_28 = arith.constant 0 : i32
    %dma_wait3A_29 = tpu.memref_slice %arg13[%dma_wait3A, %dma_wait3A_28] : memref<128x128xf32, #tpu.memory_space<vmem>> -> memref<64x128xf32, #tpu.memory_space<vmem>>
    %dma_wait3A_30 = arith.constant 0 : i32
    %dma_wait3A_31 = arith.constant 0 : i32
    %dma_wait3A_32 = tpu.memref_slice %arg16[%dma_wait3A_30, %dma_wait3A_31] : memref<10240x128xf32, #tpu.memory_space<vmem_shared>> -> memref<10240x128xf32, #tpu.memory_space<vmem_shared>>
    tpu.wait_indirect_dma semaphore(%arg17 : memref<!tpu.dma_semaphore, #tpu.memory_space<semaphore_mem>>) src(%dma_wait3A_32 : memref<10240x128xf32, #tpu.memory_space<vmem_shared>>) dst(%dma_wait3A_29 : memref<64x128xf32, #tpu.memory_space<vmem>>)
    "tpu.region"() ({
      %run_scoped3A = tpu.sem_alloc : memref<!tpu.dma_semaphore, #tpu.memory_space<semaphore_mem>>
      %dma_start3A_40 = arith.constant 0 : i32
      %dma_start3A_41 = arith.constant 0 : i32
      %dma_start3A_42 = tpu.memref_slice %arg13[%dma_start3A_40, %dma_start3A_41] : memref<128x128xf32, #tpu.memory_space<vmem>> -> memref<64x128xf32, #tpu.memory_space<vmem>>
      %dma_start3A_43 = arith.constant 0 : i32
      %dma_start3A_44 = tpu.memref_slice %arg8[%arg0, %mul3A_22, %dma_start3A_43] : memref<2x1024x128xf32, #tpu.memory_space<hbm>> -> memref<1x64x128xf32, #tpu.memory_space<hbm>>
      %dma_start3A_45 = tpu.memref_squeeze %dma_start3A_44 : memref<1x64x128xf32, #tpu.memory_space<hbm>> -> memref<64x128xf32, #tpu.memory_space<hbm>>
      %dma_start3A_46 = arith.constant 0 : i32
      %dma_start3A_47 = tpu.memref_slice %arg8[%arg0, %mul3A_22, %dma_start3A_46] : memref<2x1024x128xf32, #tpu.memory_space<hbm>> -> memref<1x64x128xf32, #tpu.memory_space<hbm>>
      %dma_start3A_48 = tpu.memref_squeeze %dma_start3A_47 : memref<1x64x128xf32, #tpu.memory_space<hbm>> -> memref<64x128xf32, #tpu.memory_space<hbm>>
      %dma_start3A_49 = arith.constant 0 : i32
      %dma_start3A_50 = arith.constant 0 : i32
      %dma_start3A_51 = tpu.memref_slice %arg13[%dma_start3A_49, %dma_start3A_50] : memref<128x128xf32, #tpu.memory_space<vmem>> -> memref<64x128xf32, #tpu.memory_space<vmem>>
      tpu.enqueue_dma source(%dma_start3A_51 : memref<64x128xf32, #tpu.memory_space<vmem>>) target(%dma_start3A_48 : memref<64x128xf32, #tpu.memory_space<hbm>>) target_semaphore(%run_scoped3A : memref<!tpu.dma_semaphore, #tpu.memory_space<semaphore_mem>>)
      %dma_wait3A_52 = arith.constant 0 : i32
      %dma_wait3A_53 = arith.constant 0 : i32
      %dma_wait3A_54 = tpu.memref_slice %arg13[%dma_wait3A_52, %dma_wait3A_53] : memref<128x128xf32, #tpu.memory_space<vmem>> -> memref<64x128xf32, #tpu.memory_space<vmem>>
      %dma_wait3A_55 = arith.constant 0 : i32
      %dma_wait3A_56 = tpu.memref_slice %arg8[%arg0, %mul3A_22, %dma_wait3A_55] : memref<2x1024x128xf32, #tpu.memory_space<hbm>> -> memref<1x64x128xf32, #tpu.memory_space<hbm>>
      %dma_wait3A_57 = tpu.memref_squeeze %dma_wait3A_56 : memref<1x64x128xf32, #tpu.memory_space<hbm>> -> memref<64x128xf32, #tpu.memory_space<hbm>>
      %dma_wait3A_58 = arith.constant 0 : i32
      %dma_wait3A_59 = tpu.memref_slice %arg8[%arg0, %mul3A_22, %dma_wait3A_58] : memref<2x1024x128xf32, #tpu.memory_space<hbm>> -> memref<1x64x128xf32, #tpu.memory_space<hbm>>
      %dma_wait3A_60 = tpu.memref_squeeze %dma_wait3A_59 : memref<1x64x128xf32, #tpu.memory_space<hbm>> -> memref<64x128xf32, #tpu.memory_space<hbm>>
      %dma_wait3A_61 = arith.constant 0 : i32
      %dma_wait3A_62 = arith.constant 0 : i32
      %dma_wait3A_63 = tpu.memref_slice %arg13[%dma_wait3A_61, %dma_wait3A_62] : memref<128x128xf32, #tpu.memory_space<vmem>> -> memref<64x128xf32, #tpu.memory_space<vmem>>
      tpu.wait_dma2 semaphore(%run_scoped3A : memref<!tpu.dma_semaphore, #tpu.memory_space<semaphore_mem>>) src(%dma_wait3A_63 : memref<64x128xf32, #tpu.memory_space<vmem>>) dst(%dma_wait3A_60 : memref<64x128xf32, #tpu.memory_space<hbm>>)
      tpu.yield
    }) : () -> ()
    %eq3A_33 = arith.constant 0 : i32
    %eq3A_34 = arith.cmpi eq, %arg0, %eq3A_33 : i32
    %convert_element_type3A = arith.extui %eq3A_34 : i1 to i32
    %cond3A = arith.constant 0 : i32
    %cond3A_35 = arith.cmpi ne, %convert_element_type3A, %cond3A : i32
    scf.if %cond3A_35 {
      %dma_start3A_40 = arith.constant 0 : i32
      %dma_start3A_41 = arith.constant 0 : i32
      %dma_start3A_42 = tpu.memref_slice %arg13[%dma_start3A_40, %dma_start3A_41] : memref<128x128xf32, #tpu.memory_space<vmem>> -> memref<64x128xf32, #tpu.memory_space<vmem>>
      %dma_start3A_43 = arith.constant 0 : i32
      %dma_start3A_44 = arith.constant 0 : i32
      %dma_start3A_45 = tpu.memref_slice %arg2[%dma_start3A_43, %dma_start3A_44] : memref<10240x128xf32, #tpu.memory_space<hbm>> -> memref<10240x128xf32, #tpu.memory_space<hbm>>
      tpu.enqueue_indirect_dma source(%dma_start3A_45 : memref<10240x128xf32, #tpu.memory_space<hbm>>) target(%dma_start3A_42 : memref<64x128xf32, #tpu.memory_space<vmem>>) offsets(%arg15 : memref<64xi32, #tpu.memory_space<vmem>>) semaphore(%arg17 : memref<!tpu.dma_semaphore, #tpu.memory_space<semaphore_mem>>)
      %dma_wait3A_46 = arith.constant 0 : i32
      %dma_wait3A_47 = arith.constant 0 : i32
      %dma_wait3A_48 = tpu.memref_slice %arg13[%dma_wait3A_46, %dma_wait3A_47] : memref<128x128xf32, #tpu.memory_space<vmem>> -> memref<64x128xf32, #tpu.memory_space<vmem>>
      %dma_wait3A_49 = arith.constant 0 : i32
      %dma_wait3A_50 = arith.constant 0 : i32
      %dma_wait3A_51 = tpu.memref_slice %arg2[%dma_wait3A_49, %dma_wait3A_50] : memref<10240x128xf32, #tpu.memory_space<hbm>> -> memref<10240x128xf32, #tpu.memory_space<hbm>>
      tpu.wait_indirect_dma semaphore(%arg17 : memref<!tpu.dma_semaphore, #tpu.memory_space<semaphore_mem>>) src(%dma_wait3A_51 : memref<10240x128xf32, #tpu.memory_space<hbm>>) dst(%dma_wait3A_48 : memref<64x128xf32, #tpu.memory_space<vmem>>)
      "tpu.region"() ({
        %run_scoped3A = tpu.sem_alloc : memref<!tpu.dma_semaphore, #tpu.memory_space<semaphore_mem>>
        %dma_start3A_52 = arith.constant 0 : i32
        %dma_start3A_53 = arith.constant 0 : i32
        %dma_start3A_54 = tpu.memref_slice %arg13[%dma_start3A_52, %dma_start3A_53] : memref<128x128xf32, #tpu.memory_space<vmem>> -> memref<64x128xf32, #tpu.memory_space<vmem>>
        %dma_start3A_55 = arith.constant 0 : i32
        %dma_start3A_56 = tpu.memref_slice %arg9[%mul3A_22, %dma_start3A_55] : memref<1024x128xf32, #tpu.memory_space<hbm>> -> memref<64x128xf32, #tpu.memory_space<hbm>>
        %dma_start3A_57 = arith.constant 0 : i32
        %dma_start3A_58 = tpu.memref_slice %arg9[%mul3A_22, %dma_start3A_57] : memref<1024x128xf32, #tpu.memory_space<hbm>> -> memref<64x128xf32, #tpu.memory_space<hbm>>
        %dma_start3A_59 = arith.constant 0 : i32
        %dma_start3A_60 = arith.constant 0 : i32
        %dma_start3A_61 = tpu.memref_slice %arg13[%dma_start3A_59, %dma_start3A_60] : memref<128x128xf32, #tpu.memory_space<vmem>> -> memref<64x128xf32, #tpu.memory_space<vmem>>
        tpu.enqueue_dma source(%dma_start3A_61 : memref<64x128xf32, #tpu.memory_space<vmem>>) target(%dma_start3A_58 : memref<64x128xf32, #tpu.memory_space<hbm>>) target_semaphore(%run_scoped3A : memref<!tpu.dma_semaphore, #tpu.memory_space<semaphore_mem>>)
        %dma_wait3A_62 = arith.constant 0 : i32
        %dma_wait3A_63 = arith.constant 0 : i32
        %dma_wait3A_64 = tpu.memref_slice %arg13[%dma_wait3A_62, %dma_wait3A_63] : memref<128x128xf32, #tpu.memory_space<vmem>> -> memref<64x128xf32, #tpu.memory_space<vmem>>
        %dma_wait3A_65 = arith.constant 0 : i32
        %dma_wait3A_66 = tpu.memref_slice %arg9[%mul3A_22, %dma_wait3A_65] : memref<1024x128xf32, #tpu.memory_space<hbm>> -> memref<64x128xf32, #tpu.memory_space<hbm>>
        %dma_wait3A_67 = arith.constant 0 : i32
        %dma_wait3A_68 = tpu.memref_slice %arg9[%mul3A_22, %dma_wait3A_67] : memref<1024x128xf32, #tpu.memory_space<hbm>> -> memref<64x128xf32, #tpu.memory_space<hbm>>
        %dma_wait3A_69 = arith.constant 0 : i32
        %dma_wait3A_70 = arith.constant 0 : i32
        %dma_wait3A_71 = tpu.memref_slice %arg13[%dma_wait3A_69, %dma_wait3A_70] : memref<128x128xf32, #tpu.memory_space<vmem>> -> memref<64x128xf32, #tpu.memory_space<vmem>>
        tpu.wait_dma2 semaphore(%run_scoped3A : memref<!tpu.dma_semaphore, #tpu.memory_space<semaphore_mem>>) src(%dma_wait3A_71 : memref<64x128xf32, #tpu.memory_space<vmem>>) dst(%dma_wait3A_68 : memref<64x128xf32, #tpu.memory_space<hbm>>)
        tpu.yield
      }) : () -> ()
    } else {
    }
    %ne3A = arith.constant 0 : i32
    %ne3A_36 = arith.cmpi ne, %arg0, %ne3A : i32
    %convert_element_type3A_37 = arith.extui %ne3A_36 : i1 to i32
    %cond3A_38 = arith.constant 0 : i32
    %cond3A_39 = arith.cmpi ne, %convert_element_type3A_37, %cond3A_38 : i32
    scf.if %cond3A_39 {
      %dma_start3A_40 = arith.constant 0 : i32
      %dma_start3A_41 = arith.constant 0 : i32
      %dma_start3A_42 = tpu.memref_slice %arg13[%dma_start3A_40, %dma_start3A_41] : memref<128x128xf32, #tpu.memory_space<vmem>> -> memref<64x128xf32, #tpu.memory_space<vmem>>
      %dma_start3A_43 = arith.constant 0 : i32
      %dma_start3A_44 = arith.constant 0 : i32
      %dma_start3A_45 = tpu.memref_slice %arg7[%dma_start3A_43, %dma_start3A_44] : memref<10240x128xf32, #tpu.memory_space<hbm>> -> memref<10240x128xf32, #tpu.memory_space<hbm>>
      tpu.enqueue_indirect_dma source(%dma_start3A_45 : memref<10240x128xf32, #tpu.memory_space<hbm>>) target(%dma_start3A_42 : memref<64x128xf32, #tpu.memory_space<vmem>>) offsets(%arg15 : memref<64xi32, #tpu.memory_space<vmem>>) semaphore(%arg17 : memref<!tpu.dma_semaphore, #tpu.memory_space<semaphore_mem>>)
      %dma_wait3A_46 = arith.constant 0 : i32
      %dma_wait3A_47 = arith.constant 0 : i32
      %dma_wait3A_48 = tpu.memref_slice %arg13[%dma_wait3A_46, %dma_wait3A_47] : memref<128x128xf32, #tpu.memory_space<vmem>> -> memref<64x128xf32, #tpu.memory_space<vmem>>
      %dma_wait3A_49 = arith.constant 0 : i32
      %dma_wait3A_50 = arith.constant 0 : i32
      %dma_wait3A_51 = tpu.memref_slice %arg7[%dma_wait3A_49, %dma_wait3A_50] : memref<10240x128xf32, #tpu.memory_space<hbm>> -> memref<10240x128xf32, #tpu.memory_space<hbm>>
      tpu.wait_indirect_dma semaphore(%arg17 : memref<!tpu.dma_semaphore, #tpu.memory_space<semaphore_mem>>) src(%dma_wait3A_51 : memref<10240x128xf32, #tpu.memory_space<hbm>>) dst(%dma_wait3A_48 : memref<64x128xf32, #tpu.memory_space<vmem>>)
      "tpu.region"() ({
        %run_scoped3A = tpu.sem_alloc : memref<!tpu.dma_semaphore, #tpu.memory_space<semaphore_mem>>
        %dma_start3A_52 = arith.constant 0 : i32
        %dma_start3A_53 = arith.constant 0 : i32
        %dma_start3A_54 = tpu.memref_slice %arg13[%dma_start3A_52, %dma_start3A_53] : memref<128x128xf32, #tpu.memory_space<vmem>> -> memref<64x128xf32, #tpu.memory_space<vmem>>
        %dma_start3A_55 = arith.constant 0 : i32
        %dma_start3A_56 = tpu.memref_slice %arg10[%mul3A_22, %dma_start3A_55] : memref<1024x128xf32, #tpu.memory_space<hbm>> -> memref<64x128xf32, #tpu.memory_space<hbm>>
        %dma_start3A_57 = arith.constant 0 : i32
        %dma_start3A_58 = tpu.memref_slice %arg10[%mul3A_22, %dma_start3A_57] : memref<1024x128xf32, #tpu.memory_space<hbm>> -> memref<64x128xf32, #tpu.memory_space<hbm>>
        %dma_start3A_59 = arith.constant 0 : i32
        %dma_start3A_60 = arith.constant 0 : i32
        %dma_start3A_61 = tpu.memref_slice %arg13[%dma_start3A_59, %dma_start3A_60] : memref<128x128xf32, #tpu.memory_space<vmem>> -> memref<64x128xf32, #tpu.memory_space<vmem>>
        tpu.enqueue_dma source(%dma_start3A_61 : memref<64x128xf32, #tpu.memory_space<vmem>>) target(%dma_start3A_58 : memref<64x128xf32, #tpu.memory_space<hbm>>) target_semaphore(%run_scoped3A : memref<!tpu.dma_semaphore, #tpu.memory_space<semaphore_mem>>)
        %dma_wait3A_62 = arith.constant 0 : i32
        %dma_wait3A_63 = arith.constant 0 : i32
        %dma_wait3A_64 = tpu.memref_slice %arg13[%dma_wait3A_62, %dma_wait3A_63] : memref<128x128xf32, #tpu.memory_space<vmem>> -> memref<64x128xf32, #tpu.memory_space<vmem>>
        %dma_wait3A_65 = arith.constant 0 : i32
        %dma_wait3A_66 = tpu.memref_slice %arg10[%mul3A_22, %dma_wait3A_65] : memref<1024x128xf32, #tpu.memory_space<hbm>> -> memref<64x128xf32, #tpu.memory_space<hbm>>
        %dma_wait3A_67 = arith.constant 0 : i32
        %dma_wait3A_68 = tpu.memref_slice %arg10[%mul3A_22, %dma_wait3A_67] : memref<1024x128xf32, #tpu.memory_space<hbm>> -> memref<64x128xf32, #tpu.memory_space<hbm>>
        %dma_wait3A_69 = arith.constant 0 : i32
        %dma_wait3A_70 = arith.constant 0 : i32
        %dma_wait3A_71 = tpu.memref_slice %arg13[%dma_wait3A_69, %dma_wait3A_70] : memref<128x128xf32, #tpu.memory_space<vmem>> -> memref<64x128xf32, #tpu.memory_space<vmem>>
        tpu.wait_dma2 semaphore(%run_scoped3A : memref<!tpu.dma_semaphore, #tpu.memory_space<semaphore_mem>>) src(%dma_wait3A_71 : memref<64x128xf32, #tpu.memory_space<vmem>>) dst(%dma_wait3A_68 : memref<64x128xf32, #tpu.memory_space<hbm>>)
        tpu.yield
      }) : () -> ()
    } else {
    }
    return
  }
}

module attributes {stable_mosaic.version = 14 : i64} {
  func.func @_layer1_body(%arg0: i32, %arg1: memref<1024x128xf32, #tpu.memory_space<vmem>>, %arg2: memref<1024x128xf32, #tpu.memory_space<vmem>>, %arg3: memref<1024x32xf32, #tpu.memory_space<vmem>>, %arg4: memref<1024x128xf32, #tpu.memory_space<vmem>>, %arg5: memref<128x128xf32, #tpu.memory_space<vmem>>, %arg6: memref<128x128xf32, #tpu.memory_space<vmem>>, %arg7: memref<1x128xf32, #tpu.memory_space<vmem>>, %arg8: memref<1024x128xf32, #tpu.memory_space<vmem>>, %arg9: memref<1024x128xf32, #tpu.memory_space<vmem>>) attributes {dimension_semantics = [#tpu.dimension_semantics<arbitrary>], iteration_bounds = array<i64: 10>, scalar_prefetch = 0 : i64, scratch_operands = 0 : i64, tpu.core_type = #tpu.core_type<tc>, window_params = [{transform_indices = @transform_0, window_bounds = array<i64: 1024, 128>}, {transform_indices = @transform_1, window_bounds = array<i64: 1024, 128>}, {transform_indices = @transform_2, window_bounds = array<i64: 1024, 32>}, {transform_indices = @transform_3, window_bounds = array<i64: 1024, 128>}, {pipeline_mode = #tpu.pipeline_mode<synchronous>, transform_indices = @transform_4, window_bounds = array<i64: 128, 128>}, {pipeline_mode = #tpu.pipeline_mode<synchronous>, transform_indices = @transform_5, window_bounds = array<i64: 128, 128>}, {pipeline_mode = #tpu.pipeline_mode<synchronous>, transform_indices = @transform_6, window_bounds = array<i64: 1, 128>}, {transform_indices = @transform_7, window_bounds = array<i64: 1024, 128>}, {transform_indices = @transform_8, window_bounds = array<i64: 1024, 128>}]} {
    %get3A = arith.constant 0 : index
    %get3A_0 = arith.constant 0 : index
    %get3A_1 = vector.load %arg3[%get3A, %get3A_0] : memref<1024x32xf32, #tpu.memory_space<vmem>>, vector<1024x32xf32>
    %reduce_sum3A = arith.constant dense<0.000000e+00> : vector<1024xf32>
    %reduce_sum3A_2 = vector.multi_reduction <add>, %get3A_1, %reduce_sum3A [1] : vector<1024x32xf32> to vector<1024xf32>
    %broadcast_in_dim3A = vector.shape_cast %reduce_sum3A_2 : vector<1024xf32> to vector<1024x1xf32>
    %max3A = arith.constant 1.000000e+00 : f32
    %max3A_3 = vector.broadcast %max3A : f32 to vector<1024x1xf32>
    %max3A_4 = arith.maximumf %broadcast_in_dim3A, %max3A_3 : vector<1024x1xf32>
    %div3A = arith.constant 1.000000e+00 : f32
    %div3A_5 = vector.broadcast %div3A : f32 to vector<1024x1xf32>
    %div3A_6 = arith.divf %div3A_5, %max3A_4 : vector<1024x1xf32>
    %get3A_7 = arith.constant 0 : index
    %get3A_8 = arith.constant 0 : index
    %get3A_9 = vector.load %arg1[%get3A_7, %get3A_8] : memref<1024x128xf32, #tpu.memory_space<vmem>>, vector<1024x128xf32>
    %get3A_10 = arith.constant 0 : index
    %get3A_11 = arith.constant 0 : index
    %get3A_12 = vector.load %arg2[%get3A_10, %get3A_11] : memref<1024x128xf32, #tpu.memory_space<vmem>>, vector<1024x128xf32>
    %add3A = arith.addf %get3A_9, %get3A_12 : vector<1024x128xf32>
    %mul3A = vector.broadcast %div3A_6 : vector<1024x1xf32> to vector<1024x128xf32>
    %mul3A_13 = arith.mulf %add3A, %mul3A : vector<1024x128xf32>
    %get3A_14 = arith.constant 0 : index
    %get3A_15 = arith.constant 0 : index
    %get3A_16 = vector.load %arg5[%get3A_14, %get3A_15] : memref<128x128xf32, #tpu.memory_space<vmem>>, vector<128x128xf32>
    %dot_general3A = arith.constant dense<0.000000e+00> : vector<1024x128xf32>
    %dot_general3A_17 = tpu.matmul %mul3A_13, %get3A_16, %dot_general3A {dimension_numbers = #tpu.dot_dimension_numbers<[1], [0], [0], [1], [0, 0, 1, 1], [], []>, transpose_lhs_hint = false} : vector<1024x128xf32>, vector<128x128xf32>, vector<1024x128xf32> -> vector<1024x128xf32>
    %get3A_18 = arith.constant 0 : index
    %get3A_19 = arith.constant 0 : index
    %get3A_20 = vector.load %arg4[%get3A_18, %get3A_19] : memref<1024x128xf32, #tpu.memory_space<vmem>>, vector<1024x128xf32>
    %get3A_21 = arith.constant 0 : index
    %get3A_22 = arith.constant 0 : index
    %get3A_23 = vector.load %arg6[%get3A_21, %get3A_22] : memref<128x128xf32, #tpu.memory_space<vmem>>, vector<128x128xf32>
    %dot_general3A_24 = arith.constant dense<0.000000e+00> : vector<1024x128xf32>
    %dot_general3A_25 = tpu.matmul %get3A_20, %get3A_23, %dot_general3A_24 {dimension_numbers = #tpu.dot_dimension_numbers<[1], [0], [0], [1], [0, 0, 1, 1], [], []>, transpose_lhs_hint = false} : vector<1024x128xf32>, vector<128x128xf32>, vector<1024x128xf32> -> vector<1024x128xf32>
    %add3A_26 = arith.addf %dot_general3A_17, %dot_general3A_25 : vector<1024x128xf32>
    %get3A_27 = arith.constant 0 : index
    %get3A_28 = arith.constant 0 : index
    %get3A_29 = vector.load %arg7[%get3A_27, %get3A_28] : memref<1x128xf32, #tpu.memory_space<vmem>>, vector<1x128xf32>
    %add3A_30 = vector.broadcast %get3A_29 : vector<1x128xf32> to vector<1024x128xf32>
    %add3A_31 = arith.addf %add3A_26, %add3A_30 : vector<1024x128xf32>
    %max3A_32 = arith.constant 0.000000e+00 : f32
    %max3A_33 = vector.broadcast %max3A_32 : f32 to vector<1024x128xf32>
    %max3A_34 = arith.maximumf %add3A_31, %max3A_33 : vector<1024x128xf32>
    %swap3A = arith.constant 0 : index
    %swap3A_35 = arith.constant 0 : index
    %swap3A_36 = vector.load %arg8[%swap3A, %swap3A_35] : memref<1024x128xf32, #tpu.memory_space<vmem>>, vector<1024x128xf32>
    tpu.vector_store %arg8[%swap3A, %swap3A_35], %max3A_34 {strides = array<i32>} : memref<1024x128xf32, #tpu.memory_space<vmem>>, vector<1024x128xf32>,
    %broadcast_in_dim3A_37 = vector.shape_cast %div3A_6 : vector<1024x1xf32> to vector<1024x1xf32>
    %broadcast_in_dim3A_38 = vector.broadcast %broadcast_in_dim3A_37 : vector<1024x1xf32> to vector<1024x128xf32>
    %swap3A_39 = arith.constant 0 : index
    %swap3A_40 = arith.constant 0 : index
    %swap3A_41 = vector.load %arg9[%swap3A_39, %swap3A_40] : memref<1024x128xf32, #tpu.memory_space<vmem>>, vector<1024x128xf32>
    tpu.vector_store %arg9[%swap3A_39, %swap3A_40], %broadcast_in_dim3A_38 {strides = array<i32>} : memref<1024x128xf32, #tpu.memory_space<vmem>>, vector<1024x128xf32>,
    return
  }
  func.func @transform_0(%arg0: i32) -> (i32, i32) {
    %c0_i32 = arith.constant 0 : i32
    %c0_i32_0 = arith.constant 0 : i32
    return %arg0, %c0_i32 : i32, i32
  }
  func.func @transform_1(%arg0: i32) -> (i32, i32) {
    %c0_i32 = arith.constant 0 : i32
    %c0_i32_0 = arith.constant 0 : i32
    return %arg0, %c0_i32 : i32, i32
  }
  func.func @transform_2(%arg0: i32) -> (i32, i32) {
    %c0_i32 = arith.constant 0 : i32
    %c0_i32_0 = arith.constant 0 : i32
    return %arg0, %c0_i32 : i32, i32
  }
  func.func @transform_3(%arg0: i32) -> (i32, i32) {
    %c0_i32 = arith.constant 0 : i32
    %c0_i32_0 = arith.constant 0 : i32
    return %arg0, %c0_i32 : i32, i32
  }
  func.func @transform_4(%arg0: i32) -> (i32, i32) {
    %c0_i32 = arith.constant 0 : i32
    %c0_i32_0 = arith.constant 0 : i32
    %c0_i32_1 = arith.constant 0 : i32
    return %c0_i32, %c0_i32_0 : i32, i32
  }
  func.func @transform_5(%arg0: i32) -> (i32, i32) {
    %c0_i32 = arith.constant 0 : i32
    %c0_i32_0 = arith.constant 0 : i32
    %c0_i32_1 = arith.constant 0 : i32
    return %c0_i32, %c0_i32_0 : i32, i32
  }
  func.func @transform_6(%arg0: i32) -> (i32, i32) {
    %c0_i32 = arith.constant 0 : i32
    %c0_i32_0 = arith.constant 0 : i32
    %c0_i32_1 = arith.constant 0 : i32
    return %c0_i32, %c0_i32_0 : i32, i32
  }
  func.func @transform_7(%arg0: i32) -> (i32, i32) {
    %c0_i32 = arith.constant 0 : i32
    %c0_i32_0 = arith.constant 0 : i32
    return %arg0, %c0_i32 : i32, i32
  }
  func.func @transform_8(%arg0: i32) -> (i32, i32) {
    %c0_i32 = arith.constant 0 : i32
    %c0_i32_0 = arith.constant 0 : i32
    return %arg0, %c0_i32 : i32, i32
  }
}

module attributes {stable_mosaic.version = 14 : i64} {
  func.func @_out_body(%arg0: i32, %arg1: memref<128x128xf32, #tpu.memory_space<vmem>>, %arg2: memref<128x128xf32, #tpu.memory_space<vmem>>, %arg3: memref<128x128xf32, #tpu.memory_space<vmem>>, %arg4: memref<128x128xf32, #tpu.memory_space<vmem>>, %arg5: memref<128x10240xf32, #tpu.memory_space<vmem>>, %arg6: memref<128x10240xf32, #tpu.memory_space<vmem>>, %arg7: memref<1x10240xf32, #tpu.memory_space<vmem>>, %arg8: memref<128x10240xf32, #tpu.memory_space<vmem>>) attributes {dimension_semantics = [#tpu.dimension_semantics<arbitrary>], iteration_bounds = array<i64: 8>, scalar_prefetch = 0 : i64, scratch_operands = 0 : i64, tpu.core_type = #tpu.core_type<tc>, window_params = [{transform_indices = @transform_0, window_bounds = array<i64: 128, 128>}, {transform_indices = @transform_1, window_bounds = array<i64: 128, 128>}, {transform_indices = @transform_2, window_bounds = array<i64: 128, 128>}, {transform_indices = @transform_3, window_bounds = array<i64: 128, 128>}, {pipeline_mode = #tpu.pipeline_mode<synchronous>, transform_indices = @transform_4, window_bounds = array<i64: 128, 10240>}, {pipeline_mode = #tpu.pipeline_mode<synchronous>, transform_indices = @transform_5, window_bounds = array<i64: 128, 10240>}, {pipeline_mode = #tpu.pipeline_mode<synchronous>, transform_indices = @transform_6, window_bounds = array<i64: 1, 10240>}, {transform_indices = @transform_7, window_bounds = array<i64: 128, 10240>}]} {
    %get3A = arith.constant 0 : index
    %get3A_0 = arith.constant 0 : index
    %get3A_1 = vector.load %arg1[%get3A, %get3A_0] : memref<128x128xf32, #tpu.memory_space<vmem>>, vector<128x128xf32>
    %get3A_2 = arith.constant 0 : index
    %get3A_3 = arith.constant 0 : index
    %get3A_4 = vector.load %arg2[%get3A_2, %get3A_3] : memref<128x128xf32, #tpu.memory_space<vmem>>, vector<128x128xf32>
    %add3A = arith.addf %get3A_1, %get3A_4 : vector<128x128xf32>
    %get3A_5 = arith.constant 0 : index
    %get3A_6 = arith.constant 0 : index
    %get3A_7 = vector.load %arg4[%get3A_5, %get3A_6] : memref<128x128xf32, #tpu.memory_space<vmem>>, vector<128x1xf32>
    %mul3A = vector.broadcast %get3A_7 : vector<128x1xf32> to vector<128x128xf32>
    %mul3A_8 = arith.mulf %add3A, %mul3A : vector<128x128xf32>
    %get3A_9 = arith.constant 0 : index
    %get3A_10 = arith.constant 0 : index
    %get3A_11 = vector.load %arg5[%get3A_9, %get3A_10] : memref<128x10240xf32, #tpu.memory_space<vmem>>, vector<128x10240xf32>
    %dot_general3A = arith.constant dense<0.000000e+00> : vector<128x10240xf32>
    %dot_general3A_12 = tpu.matmul %mul3A_8, %get3A_11, %dot_general3A {dimension_numbers = #tpu.dot_dimension_numbers<[1], [0], [0], [1], [0, 0, 1, 1], [], []>, transpose_lhs_hint = false} : vector<128x128xf32>, vector<128x10240xf32>, vector<128x10240xf32> -> vector<128x10240xf32>
    %get3A_13 = arith.constant 0 : index
    %get3A_14 = arith.constant 0 : index
    %get3A_15 = vector.load %arg3[%get3A_13, %get3A_14] : memref<128x128xf32, #tpu.memory_space<vmem>>, vector<128x128xf32>
    %get3A_16 = arith.constant 0 : index
    %get3A_17 = arith.constant 0 : index
    %get3A_18 = vector.load %arg6[%get3A_16, %get3A_17] : memref<128x10240xf32, #tpu.memory_space<vmem>>, vector<128x10240xf32>
    %dot_general3A_19 = arith.constant dense<0.000000e+00> : vector<128x10240xf32>
    %dot_general3A_20 = tpu.matmul %get3A_15, %get3A_18, %dot_general3A_19 {dimension_numbers = #tpu.dot_dimension_numbers<[1], [0], [0], [1], [0, 0, 1, 1], [], []>, transpose_lhs_hint = false} : vector<128x128xf32>, vector<128x10240xf32>, vector<128x10240xf32> -> vector<128x10240xf32>
    %add3A_21 = arith.addf %dot_general3A_12, %dot_general3A_20 : vector<128x10240xf32>
    %get3A_22 = arith.constant 0 : index
    %get3A_23 = arith.constant 0 : index
    %get3A_24 = vector.load %arg7[%get3A_22, %get3A_23] : memref<1x10240xf32, #tpu.memory_space<vmem>>, vector<1x10240xf32>
    %add3A_25 = vector.broadcast %get3A_24 : vector<1x10240xf32> to vector<128x10240xf32>
    %add3A_26 = arith.addf %add3A_21, %add3A_25 : vector<128x10240xf32>
    %reduce_max3A = arith.constant dense<0xFF800000> : vector<128xf32>
    %reduce_max3A_27 = vector.multi_reduction <maximumf>, %add3A_26, %reduce_max3A [1] : vector<128x10240xf32> to vector<128xf32>
    %broadcast_in_dim3A = vector.shape_cast %reduce_max3A_27 : vector<128xf32> to vector<128x1xf32>
    %sub3A = vector.broadcast %broadcast_in_dim3A : vector<128x1xf32> to vector<128x10240xf32>
    %sub3A_28 = arith.subf %add3A_26, %sub3A : vector<128x10240xf32>
    %exp3A = math.exp %sub3A_28 : vector<128x10240xf32>
    %reduce_sum3A = arith.constant dense<0.000000e+00> : vector<128xf32>
    %reduce_sum3A_29 = vector.multi_reduction <add>, %exp3A, %reduce_sum3A [1] : vector<128x10240xf32> to vector<128xf32>
    %broadcast_in_dim3A_30 = vector.shape_cast %reduce_sum3A_29 : vector<128xf32> to vector<128x1xf32>
    %log3A = math.log %broadcast_in_dim3A_30 : vector<128x1xf32>
    %sub3A_31 = vector.broadcast %broadcast_in_dim3A : vector<128x1xf32> to vector<128x10240xf32>
    %sub3A_32 = arith.subf %add3A_26, %sub3A_31 : vector<128x10240xf32>
    %sub3A_33 = vector.broadcast %log3A : vector<128x1xf32> to vector<128x10240xf32>
    %sub3A_34 = arith.subf %sub3A_32, %sub3A_33 : vector<128x10240xf32>
    %swap3A = arith.constant 0 : index
    %swap3A_35 = arith.constant 0 : index
    %swap3A_36 = vector.load %arg8[%swap3A, %swap3A_35] : memref<128x10240xf32, #tpu.memory_space<vmem>>, vector<128x10240xf32>
    tpu.vector_store %arg8[%swap3A, %swap3A_35], %sub3A_34 {strides = array<i32>} : memref<128x10240xf32, #tpu.memory_space<vmem>>, vector<128x10240xf32>,
    return
  }
  func.func @transform_0(%arg0: i32) -> (i32, i32) {
    %c0_i32 = arith.constant 0 : i32
    %c0_i32_0 = arith.constant 0 : i32
    return %arg0, %c0_i32 : i32, i32
  }
  func.func @transform_1(%arg0: i32) -> (i32, i32) {
    %c0_i32 = arith.constant 0 : i32
    %c0_i32_0 = arith.constant 0 : i32
    return %arg0, %c0_i32 : i32, i32
  }
  func.func @transform_2(%arg0: i32) -> (i32, i32) {
    %c0_i32 = arith.constant 0 : i32
    %c0_i32_0 = arith.constant 0 : i32
    return %arg0, %c0_i32 : i32, i32
  }
  func.func @transform_3(%arg0: i32) -> (i32, i32) {
    %c0_i32 = arith.constant 0 : i32
    %c0_i32_0 = arith.constant 0 : i32
    return %arg0, %c0_i32 : i32, i32
  }
  func.func @transform_4(%arg0: i32) -> (i32, i32) {
    %c0_i32 = arith.constant 0 : i32
    %c0_i32_0 = arith.constant 0 : i32
    %c0_i32_1 = arith.constant 0 : i32
    return %c0_i32, %c0_i32_0 : i32, i32
  }
  func.func @transform_5(%arg0: i32) -> (i32, i32) {
    %c0_i32 = arith.constant 0 : i32
    %c0_i32_0 = arith.constant 0 : i32
    %c0_i32_1 = arith.constant 0 : i32
    return %c0_i32, %c0_i32_0 : i32, i32
  }
  func.func @transform_6(%arg0: i32) -> (i32, i32) {
    %c0_i32 = arith.constant 0 : i32
    %c0_i32_0 = arith.constant 0 : i32
    %c0_i32_1 = arith.constant 0 : i32
    return %c0_i32, %c0_i32_0 : i32, i32
  }
  func.func @transform_7(%arg0: i32) -> (i32, i32) {
    %c0_i32 = arith.constant 0 : i32
    %c0_i32_0 = arith.constant 0 : i32
    return %arg0, %c0_i32 : i32, i32
  }
}

</mosaic_0001>

<sc_bundles>
// kernel: kernel.10.cloned.1.call-start
scs
__scs_entry_jumppad:
0x0: {  	(pc) =	sbr.rel $0x88, $3  }
0x1: {  	(tag) =	ssettag $0x0;
	lr =	simm.s32 $0x1  }
0x2: {  	[smem:$0x3F97] =	sst lr;
	_ =	strace $0xD0000000  }
0x3: {  	_ = 	snop  }
0x4: {  	_ = 	snop  }
0x5: {  	_ = 	snop  }
0x6: {  	_ = 	snop  }
0x7: {  	_ = 	snop  }
__scs_overlays_trampoline_lowered:
0x8: {  	[smem:$0x3FA6] =	sst s0  }
0x9: {  	[smem:$0x3FA7] =	sst s1  }
0xa: {  	[smem:$0x3FA8] =	sst s2  }
0xb: {  	[smem:$0x3FA9] =	sst s3  }
0xc: {  	[smem:$0x3FAA] =	sst s4  }
0xd: {  	[smem:$0x3FAB] =	sst s5  }
0xe: {  	[smem:$0x3FAC] =	sst s6  }
0xf: {  	[smem:$0x3FAD] =	sst s7  }
0x10: {  	[smem:$0x3FAE] =	sst s8  }
0x11: {  	[smem:$0x3FAF] =	sst s9;
	s0 =	simm.s32 @!p0 $0x0  }
0x12: {  	s1 =	sld [smem:$0x3F95];
	s0 =	simm.s32 @p0 $0x1  }
0x13: {  	[smem:$0x3FB0] =	sst s0;
	s0 =	simm.s32 @!p1 $0x0  }
0x14: {  	s2 =	sld [smem:$0x3F94];
	s0 =	simm.s32 @p1 $0x1  }
0x15: {  	[smem:$0x3FB1] =	sst s0;
	s0 =	simm.s32 @!p2 $0x0  }
0x16: {  	s3 =	sld [smem:$0x3FDB];
	s0 =	simm.s32 @p2 $0x1  }
0x17: {  	s4 =	simm.s32 $0x1BF5;
	[smem:$0x3FB3] =	sst s0  }
0x18: {  	s0 =	sld [smem:$0x3F96];
	_ =	swait.ge [sflag:s4], $0x0  }
0x19: {  	s7 =	sld [smem:$0x3F97]  }
0x1a: {  	s8 =	sadd.s32 $0xFFFFE003, lr  }
0x1b: {  	s9 =	sadd.s32 $0xFFFFFEF7, lr;
	s5 =	simm.s32 $0xFFFFFFFF;
	p2 =	slt.u32 s8, $0xFFFFF086  }
0x1c: {  	p1 =	slt.u32 s9, $0xF7A;
	s5 =	simm.s32 @!p2 $0x0  }
0x1d: {  	s5 =	simm.s32 @p1 $0x1;
	p0 =	seq.s32 s7, s2  }
0x1e: {  	s7 =	smul.u32 @!p0 $0xF7A, s2;
	p2 =	seq.s32 @!p0 s5, $0x0  }
0x1f: {  	s9 =	smul.u32 $0xF7A, s1;
	s8 =	simm.s32 @!p0 $0x1BF5;
	p2 =	por !p2, p0  }
0x20: {  	[sflag:s8] =	ssyncset.s32 @!p0 $0xFFFFF086;
	s6 =	sadd.s32 @!p0 s3, s7;
	s7 =	simm.s32 @!p0 $0x108  }
0x21: {  	s3 =	sadd.s32 s3, s9;
	s6 =	sadd.s32 @!p0 $0x88, s6;
	s7 =	simm.s32 @p2 $0x1082  }
0x22: {  	[simem:s7], [sflag:s8] =	dma.local @!p0 [hbm:s6], $0xF7A  }
0x23: {  	s9 =	sor.u32 $0xD0000000, s2;
	s6 =	simm.s32 $0x108;
	_ =	swait.ge @!p0 [sflag:s8], $0x0  }
0x24: {  	s3 =	sadd.s32 $0x88, s3;
	s6 =	simm.s32 @!p1 $0x1082;
	[sflag:s4] =	ssyncset.s32 $0xFFFFF086  }
0x25: {  	[simem:s6], [sflag:s4] =	dma.local [hbm:s3], $0xF7A  }
0x26: {  	[smem:$0x3F97] =	sst s1;
	(tag) =	ssettag s2;
	_ =	strace s9  }
0x27: {  	s1 =	sld [smem:$0x3FA7]  }
0x28: {  	s2 =	sld [smem:$0x3FA8]  }
0x29: {  	s4 =	sld [smem:$0x3FAA]  }
0x2a: {  	p0 =	seq.s32 s5, $0x0;
	s5 =	sld [smem:$0x3FAB]  }
0x2b: {  	s6 =	sld [smem:$0x3FAC]  }
0x2c: {  	s7 =	sld [smem:$0x3FAD]  }
0x2d: {  	s3 =	simm.s32 $0x108;
	s8 =	sld [smem:$0x3FAE]  }
0x2e: {  	s3 =	simm.s32 @!p0 $0x1082;
	s9 =	sld [smem:$0x3FAF]  }
0x2f: {  	lr =	sadd.s32 s0, s3;
	s0 =	sld [smem:$0x3FA6]  }
0x30: {  	s3 =	sld [smem:$0x3FA9]  }
0x31: {  	[smem:$0x3FB2] =	sst s10  }
0x32: {  	s10 =	sld [smem:$0x3FB0];
	_ =	sdelay $0x3  }
0x33: {  	p0 =	seq.s32 s10, $0x1;
	s10 =	sld [smem:$0x3FB2];
	_ =	sdelay $0x3  }
0x34: {  	[smem:$0x3FB2] =	sst s10  }
0x35: {  	s10 =	sld [smem:$0x3FB1];
	_ =	sdelay $0x3  }
0x36: {  	p1 =	seq.s32 s10, $0x1;
	s10 =	sld [smem:$0x3FB2];
	_ =	sdelay $0x3  }
0x37: {  	[smem:$0x3FB2] =	sst s10  }
0x38: {  	s10 =	sld [smem:$0x3FB3]  }
0x39: {  	_ = 	snop;
	(pc) =	sbr.ind lr, $3  }
0x3a: {  	_ = 	snop  }
0x3b: {  	_ = 	snop  }
0x3c: {  	p2 =	seq.s32 s10, $0x1;
	s10 =	sld [smem:$0x3FB2]  }
0x3d: {  	_ =	shalt  }
0x3e: {  	_ =	shalt  }
0x3f: {  	_ =	shalt  }
0x40: {  	_ =	shalt  }
0x41: {  	_ =	shalt  }
0x42: {  	_ =	shalt  }
0x43: {  	_ =	shalt  }
0x44: {  	_ =	shalt  }
0x45: {  	_ =	shalt  }
0x46: {  	_ =	shalt  }
0x47: {  	_ =	shalt  }
0x48: {  	_ =	shalt  }
0x49: {  	_ =	shalt  }
0x4a: {  	_ =	shalt  }
0x4b: {  	_ =	shalt  }
0x4c: {  	_ =	shalt  }
0x4d: {  	_ =	shalt  }
0x4e: {  	_ =	shalt  }
0x4f: {  	_ =	shalt  }
0x50: {  	_ =	shalt  }
0x51: {  	_ =	shalt  }
0x52: {  	_ =	shalt  }
0x53: {  	_ =	shalt  }
0x54: {  	_ =	shalt  }
0x55: {  	_ =	shalt  }
0x56: {  	_ =	shalt  }
0x57: {  	_ =	shalt  }
0x58: {  	_ =	shalt  }
0x59: {  	_ =	shalt  }
0x5a: {  	_ =	shalt  }
0x5b: {  	_ =	shalt  }
0x5c: {  	_ =	shalt  }
0x5d: {  	_ =	shalt  }
0x5e: {  	_ =	shalt  }
0x5f: {  	_ =	shalt  }
0x60: {  	_ =	shalt  }
0x61: {  	_ =	shalt  }
0x62: {  	_ =	shalt  }
0x63: {  	_ =	shalt  }
0x64: {  	_ =	shalt  }
0x65: {  	_ =	shalt  }
0x66: {  	_ =	shalt  }
0x67: {  	_ =	shalt  }
0x68: {  	_ =	shalt  }
0x69: {  	_ =	shalt  }
0x6a: {  	_ =	shalt  }
0x6b: {  	_ =	shalt  }
0x6c: {  	_ =	shalt  }
0x6d: {  	_ =	shalt  }
0x6e: {  	_ =	shalt  }
0x6f: {  	_ =	shalt  }
0x70: {  	_ =	shalt  }
0x71: {  	_ =	shalt  }
0x72: {  	_ =	shalt  }
0x73: {  	_ =	shalt  }
0x74: {  	_ =	shalt  }
0x75: {  	_ =	shalt  }
0x76: {  	_ =	shalt  }
0x77: {  	_ =	shalt  }
0x78: {  	_ =	shalt  }
0x79: {  	_ =	shalt  }
0x7a: {  	_ =	shalt  }
0x7b: {  	_ =	shalt  }
0x7c: {  	_ =	shalt  }
0x7d: {  	_ =	shalt  }
0x7e: {  	_ =	shalt  }
0x7f: {  	_ =	shalt  }
0x80: {  	_ =	shalt  }
0x81: {  	_ =	shalt  }
0x82: {  	_ =	shalt  }
0x83: {  	_ =	shalt  }
0x84: {  	_ =	shalt  }
0x85: {  	_ =	shalt  }
0x86: {  	_ =	shalt  }
0x87: {  	_ =	shalt  }
.Lfunc_end0:
.L_simem_size_0:
called_computation.2_lowered:
.L_overlay_start_0:
0x88: {  	s2 =	sld [smem:$0x3FD9]  }
0x89: {  	s3 =	sld [smem:$0x3FFE];
	_ =	sdelay $0x1  }
0x8a: {  	s1 =	srdreg.scid  }
0x8b: {  	s0 =	sand.u32 $0x1, s1  }
0x8c: {  	s17 =	sshll.u32 s0, $0xA;
	s2 =	sadd.s32 s3, s2  }
0x8d: {  	s2 =	sadd.s32 s2, s17  }
0x8e: {  	[smem:$0x3FBE] =	sst s2  }
0x8f: {  	_ = 	snop  }
0x90: {  	s2 =	sld [smem:$0x3FD0];
	(tm) =	ssettm $0x1  }
0x91: {  	s18 =	sld [smem:$0x3FFB];
	_ =	sdelay $0x3  }
0x92: {  	_ =	strace s18  }
0x93: {  	s3 =	sld [smem:$0x3FFC];
	_ =	sdelay $0x3  }
0x94: {  	_ =	strace s3  }
0x95: {  	s3 =	sld [smem:$0x3FFD];
	_ =	sdelay $0x3  }
0x96: {  	_ =	strace s3  }
0x97: {  	_ =	strace $0x8FFFFFFF  }
0x98: {  	s19 =	sld [smem:$0x3FDB];
	_ =	sdelay $0x1  }
0x99: {  	s4 =	simm.s32 $_scs_section_size  }
0x9a: {  	s5 =	simm.s32 $_size__tile_overlayer_lowered;
	s6 =	simm.s32 $_tile_overlayer_lowered  }
0x9b: {  	s22 =	simm.s32 $0x1BFF;
	s21 =	sshll.u32 s6, $0x1;
	s3 =	sadd.s32 s4, s19  }
0x9c: {  	s7 =	simm.s32 $0x0;
	s20 =	sshll.u32 s5, $0x1;
	s5 =	sadd.s32 s21, s3  }
0x9d: {  	[timem:s7], [sflag:s22] =	dma.local [hbm:s5], s20  }
0x9e: {  	_ =	swait.ge [sflag:s22], s20  }
0x9f: {  	s4 =	ssub.s32 $0x0, s20;
	[sflag:s22] =	ssyncset.done $0x0  }
0xa0: {  	[sflag:s22] =	ssyncadd.s32 s4;
	_ =	sdelay $0x1  }
0xa1: {  	s23 =	simm.s32 $0x1B8B  }
0xa2: {  	_ =	swait.ge [sflag:s23], $0x1  }
0xa3: {  	[sflag:s23] =	ssyncset.done $0x0  }
0xa4: {  	s25 =	simm.s32 $0x1B8E;
	s24 =	sld [smem:$0x3FFE];
	[sflag:s23] =	ssyncadd.s32 $0xFFFFFFFF  }
0xa5: {  	s26 =	simm.s32 $execute0_lowered;
	[smem:$0x3FD2] =	sst s25  }
0xa6: {  	s5 =	sshll.u32 s26, $0x1;
	_ =	strace $0x80000049;
	[dreg:$0x1] =	wrdreg $0xFFFFFFFF  }
0xa7: {  	s28 =	simm.s32 $_size_execute0_lowered;
	s3 =	sadd.s32 s3, s5;
	[dreg:$0x0] =	wrdreg $0x0  }
0xa8: {  	s5 =	sshll.u32 s28, $0x1;
	[dreg:$0x2] =	wrdreg s3  }
0xa9: {  	[dreg:$0x3] =	wrdreg s5  }
0xaa: {  	[dreg:$0x4] =	wrdreg $0xC0  }
0xab: {  	_ =	task [dreg:s7], $0x5FFFF  }
0xac: {  	[dreg:$0x1] =	wrdreg $0xFFFFFFFF  }
0xad: {  	[dreg:$0x0] =	wrdreg $0x60  }
0xae: {  	[dreg:$0x2] =	wrdreg s24  }
0xaf: {  	[dreg:$0x3] =	wrdreg s2  }
0xb0: {  	[dreg:$0x4] =	wrdreg $0xA8000  }
0xb1: {  	[dreg:$0x5] =	wrdreg $0x9  }
0xb2: {  	_ =	task.clear_ibuf [dreg:s7], $0x6FFFF;
	_ =	strace $0x90000049  }
0xb3: {  	s29 =	simm.s32 $0x9;
	_ =	strace $0x8000004B  }
0xb4: {  	_ =	swait.ge [sflag:s29], $0x1  }
0xb5: {  	[sflag:s29] =	ssyncadd.s32 $0xFFFFFFFF  }
0xb6: {  	_ =	strace $0x9000004B  }
0xb7: {  	_ =	sfence  }
0xb8: {  	s30 =	sld [smem:$0x0];
	_ =	sdelay $0x2  }
0xb9: {  	s31 =	sshll.u32 s1, $0xD;
	s1 =	sshrl.u32 s1, $0x2  }
0xba: {  	s3 =	sand.u32 $0x4000, s31;
	s1 =	sadd.s32 s1, s30  }
0xbb: {  	s0 =	sor.u32 s3, s0;
	s1 =	sshll.u32 s1, $0x11  }
0xbc: {  	s0 =	sor.u32 s1, s0  }
0xbd: {  	s0 =	sadd.s32 $0x8F2B, s0  }
0xbe: {  	[sflag:s0] =	ssyncadd.remote.s32 $0x1  }
0xbf: {  	_ =	sfence.sel $0xFFFF  }
0xc0: {  	[dreg:$0x0] =	wrdreg $0xFFFFFFFF;
	(pc) =	sbr.abs _section_cstart, $3  }
0xc1: {  	[dreg:$0x1] =	wrdreg $0xFFFFFFFF  }
0xc2: {  	_ =	task.clear_ibuf [dreg:s7], $0x2FFFF;
	_ =	strace $0x9FFFFFFF  }
0xc3: {  	(tm) =	ssettm $0x7FFFFFFF  }
tec
execute0_lowered:
.L_overlay_start_1:
0x0: {  	(tag) =	ssettag $0x1  }
0x1: {  	s7 =	rddreg [dreg:$0x0]  }
0x2: {  	s10 =	rddreg [dreg:$0x1]  }
0x3: {  	s1 =	rddreg [dreg:$0x2]  }
0x4: {  	s0 =	rddreg [dreg:$0x3]  }
0x5: {  	s2 =	simm.s32 $0x0;
	s6 =	srdreg.scid;
	s3 =	stileid.u32  }
0x6: {  	s16 =	simm.s32 $0x2800;
	s17 =	simm.s32 $0x1;
	s18 =	simm.s32 $0x6800  }
0x7: {  	s19 =	simm.s32 $0x2;
	s20 =	simm.s32 $0x100;
	s21 =	simm.s32 $0x1480  }
0x8: {  	[smem:$0x7FF] =	sst s2;
	s4 =	sadd.s32 $0x21C00, s7;
	s9 =	smul.u32 $0x50000, s3  }
0x9: {  	s5 =	sadd.s32 $0x3600, s7;
	s22 =	sand.u32 $0x1, s6;
	s30 =	smul.u32 $0x14000, s3  }
0xa: {  	s6 =	sadd.s32 $0xD600, s7;
	s7 =	sadd.s32 $0x49C00, s7;
	s14 =	smul.u32 $0x28, s3  }
0xb: {  	s31 =	sshll.u32 s3, $0x6;
	s15 =	smul.u32 $0x78, s3;
	_ =	strace $0x8000004A  }
0xc: {  	s8 =	ssub.s32 $0x2, s22;
	s12 =	smul.u32 $0x140000, s22;
	p0 =	seq.s32 s22, $0x0  }
0xd: {  	s11 =	sshrl.u32 s8, $0x1;
	s29 =	sshrl.u32 s9, $0x2;
	s9 =	sadd.s32 $0x780, s14  }
.Ltmp0:
0xe: {  	s14 =	simm.s32 $0x1400;
	s11 =	ssub.s32 s8, s11;
	(pc) =	sbr.rel .LBB2_1-.Ltmp0, $4  }
0xf: {  	s13 =	sadd.s32 s29, s1;
	s8 =	sor.u32 $0x1C03, s31;
	s12 =	sadd.s32 s30, s12  }
0x10: {  	s9 =	smov.u32 @p0 s15;
	s15 =	simm.s32 $0x80;
	p0 =	sne.s32 s22, $0x0  }
0x11: {  	s22 =	simm.s32 $0x0;
	s12 =	sshrl.u32 s12, $0x3;
	s11 =	smax.u32 s11, $0x1  }
0x12: {  	s10 =	sadd.s32 s10, s12;
	s12 =	sshrl.u32 s13, $0x3;
	s13 =	simm.s32 $0x3  }
.LBB2_6:
0x13: {  	s22 =	sadd.s32 $0x1, s22  }
0x14: {  	p1 =	sne.s32 s22, s11  }
.Ltmp1:
0x15: {  	[bflag:$0x0] =	sbarrier.arrive $0xFFFF;
	(pc) =	sbr.rel @!p1 .LBB2_7-.Ltmp1, $4  }
0x16: {  	[hbm:s10], [sflag:s8] =	dma.local [spmem:s12], $0x2800  }
0x17: {  	_ =	swait.ge [sflag:s13], $0x2800  }
0x18: {  	[sflag:s13] =	ssyncset.done $0x0  }
0x19: {  	[sflag:s13] =	ssyncadd.s32 $0xFFFFD800  }
.LBB2_1:
0x1a: {  	[spmem:s12], [sflag:s8] =	dma.local [hbm:s7], $0x2800  }
.Ltmp2:
0x1b: {  	_ =	swait.ge [sflag:s13], $0x2800;
	(pc) =	sbr.rel .LBB2_2-.Ltmp2, $4  }
0x1c: {  	[sflag:s13] =	ssyncset.done $0x0  }
0x1d: {  	[sflag:s13] =	ssyncadd.s32 $0xFFFFD800  }
0x1e: {  	[bflag:$0x0] =	sbarrier.arrive $0xFFFF  }
0x1f: {  	s23 =	simm.s32 $0x0  }
.LBB2_5:
0x20: {  	p1 =	slt.u32 @!p0 s23, $0x2  }
0x21: {  	p1 =	por p0, !p1  }
.Ltmp3:
0x22: {  	_ = 	snop;
	(pc) =	sbr.rel @p1 .LBB2_6-.Ltmp3, $4  }
0x23: {  	[spmem:s1] =	stream.indirect.scatter.add.f32 [tilespmem:s18], [sflag:$0x2], $0x80, s26, s15, $0xb8;
	[tilespmem:$0x1E800] =	vst v63  }
0x24: {  	_ =	swait.ge [sflag:s19], $0x4000  }
0x25: {  	[sflag:s19] =	ssyncset.done $0x0  }
0x26: {  	s23 =	sadd.s32 $0x1, s23;
	[sflag:s19] =	ssyncadd.s32 $0xFFFFC000  }
.LBB2_2:
0x27: {  	s24 =	smul.u32 $0x28, s23;
	_ =	sdelay $0x1  }
0x28: {  	s24 =	sadd.s32 s9, s24  }
0x29: {  	s24 =	sshll.u32 s24, $0x4  }
0x2a: {  	s25 =	sadd.s32 s5, s24  }
0x2b: {  	[tilespmem:s2], [sflag:$0x3] =	stream.linear.gather [hbm4b:s25+s2], $0x1400, $0x38;
	[tilespmem:$0x1E800] =	vst v63  }
0x2c: {  	_ =	swait.ge [sflag:s13], $0x1400  }
0x2d: {  	[sflag:s13] =	ssyncset.done $0x0  }
0x2e: {  	s24 =	sadd.s32 s6, s24;
	[sflag:s13] =	ssyncadd.s32 $0xFFFFEC00  }
0x2f: {  	[tilespmem:s14], [sflag:$0x3] =	stream.linear.gather [hbm4b:s24+s2], $0x1400, $0x38;
	[tilespmem:$0x1E800] =	vst v63  }
0x30: {  	_ =	swait.ge [sflag:s13], $0x1400  }
0x31: {  	[sflag:s13] =	ssyncset.done $0x0  }
0x32: {  	[sflag:s13] =	ssyncadd.s32 $0xFFFFEC00  }
0x33: {  	[tilespmem:s16], [sflag:$0x1] =	stream.indirect.gather [hbm4b:s4+s15], $0x80, s2, s15, $0xb8;
	[tilespmem:$0x1E800] =	vst v63  }
0x34: {  	_ =	swait.ge [sflag:s17], $0x4000  }
0x35: {  	[sflag:s17] =	ssyncset.done $0x0  }
0x36: {  	[sflag:s17] =	ssyncadd.s32 $0xFFFFC000  }
0x37: {  	[tilespmem:s18], [sflag:$0x1] =	stream.indirect.gather [hbm4b:s4+s15], $0x80, s15, s15, $0xb8;
	[tilespmem:$0x1E800] =	vst v63  }
0x38: {  	_ = 	snop  }
0x39: {  	[spmem:s1] =	stream.indirect.scatter.add.f32 [tilespmem:s16], [sflag:$0x2], $0x80, s14, s15, $0xb8;
	[tilespmem:$0x1E800] =	vst v63  }
0x3a: {  	_ =	swait.ge [sflag:s17], $0x4000  }
0x3b: {  	[sflag:s17] =	ssyncset.done $0x0  }
0x3c: {  	[sflag:s17] =	ssyncadd.s32 $0xFFFFC000  }
0x3d: {  	_ =	swait.ge [sflag:s19], $0x4000  }
0x3e: {  	[sflag:s19] =	ssyncset.done $0x0  }
0x3f: {  	[sflag:s19] =	ssyncadd.s32 $0xFFFFC000  }
0x40: {  	[tilespmem:s16], [sflag:$0x1] =	stream.indirect.gather [hbm4b:s4+s15], $0x80, s20, s15, $0xb8;
	[tilespmem:$0x1E800] =	vst v63  }
0x41: {  	s24 =	simm.s32 $0xFFFFB800  }
0x42: {  	[spmem:s1] =	stream.indirect.scatter.add.f32 [tilespmem:s18], [sflag:$0x2], $0x80, s21, s15, $0xb8;
	[tilespmem:$0x1E800] =	vst v63  }
.LBB2_3:
0x43: {  	_ =	swait.ge [sflag:s17], $0x4000  }
0x44: {  	[sflag:s17] =	ssyncset.done $0x0  }
0x45: {  	[sflag:s17] =	ssyncadd.s32 $0xFFFFC000  }
0x46: {  	_ =	swait.ge [sflag:s19], $0x4000  }
0x47: {  	s25 =	sshra.s32 s24, $0x2;
	[sflag:s19] =	ssyncset.done $0x0  }
0x48: {  	s26 =	sadd.s32 $0x1380, s25;
	[sflag:s19] =	ssyncadd.s32 $0xFFFFC000  }
0x49: {  	[tilespmem:s18], [sflag:$0x1] =	stream.indirect.gather [hbm4b:s4+s15], $0x80, s26, s15, $0xb8;
	[tilespmem:$0x1E800] =	vst v63  }
0x4a: {  	s31 =	sadd.s32 $0x2700, s25  }
0x4b: {  	[spmem:s1] =	stream.indirect.scatter.add.f32 [tilespmem:s16], [sflag:$0x2], $0x80, s31, s15, $0xb8;
	[tilespmem:$0x1E800] =	vst v63  }
0x4c: {  	p1 =	seq.s32 s24, $0x0;
	_ =	swait.ge [sflag:s17], $0x4000  }
.Ltmp4:
0x4d: {  	[sflag:s17] =	ssyncset.done $0x0;
	(pc) =	sbr.rel @p1 .LBB2_5-.Ltmp4, $4  }
0x4e: {  	[sflag:s17] =	ssyncadd.s32 $0xFFFFC000  }
0x4f: {  	_ =	swait.ge [sflag:s19], $0x4000  }
0x50: {  	[sflag:s19] =	ssyncset.done $0x0  }
0x51: {  	s26 =	sadd.s32 $0x2780, s25;
	[sflag:s19] =	ssyncadd.s32 $0xFFFFC000  }
.Ltmp5:
0x52: {  	(pc) =	sbr.rel .LBB2_3-.Ltmp5, $4  }
0x53: {  	s25 =	sadd.s32 $0x1400, s25  }
0x54: {  	[tilespmem:s16], [sflag:$0x1] =	stream.indirect.gather [hbm4b:s4+s15], $0x80, s25, s15, $0xb8;
	[tilespmem:$0x1E800] =	vst v63  }
0x55: {  	s24 =	sadd.s32 $0x400, s24  }
0x56: {  	[spmem:s1] =	stream.indirect.scatter.add.f32 [tilespmem:s18], [sflag:$0x2], $0x80, s26, s15, $0xb8;
	[tilespmem:$0x1E800] =	vst v63  }
.LBB2_7:
0x57: {  	_ =	sfence.sel $0x180000  }
0x58: {  	[bflag:$0x0] =	sbarrier.arrive $0xFFFF  }
0x59: {  	p0 =	sne.s32 s3, $0x0;
	_ =	strace $0x9000004A  }
0x5a: {  	s0 =	sadd.s32 @!p0 $0x100000, s0;
	[bflag:$0x2] =	sbarrier.arrive $0xFFFF  }
0x5b: {  	[sflag:s0] =	ssyncadd.tile.s32 @!p0 $0x1;
	_ =	shalt  }
.Lfunc_end2:
_tile_overlayer_lowered:
.L_overlay_start_2:
0x5c: {  	(tag) =	ssettag $0x2  }
0x5d: {  	s0 =	rddreg [dreg:$0x0];
	s2 =	stileid.u32  }
0x5e: {  	s1 =	rddreg [dreg:$0x1];
	p0 =	sne.s32 s2, $0x0  }
0x5f: {  	s3 =	rddreg [dreg:$0x2];
	[bflag:$0x3] =	sbarrier.arrive $0xFFFF;
	s2 =	simm.s32 @!p0 $0x1C03  }
0x60: {  	[timem:s3], [sflag:s2] =	dma.local @!p0 [hbm:s0], s1  }
0x61: {  	s0 =	simm.s32 @!p0 $0x3  }
0x62: {  	_ =	swait.ge @!p0 [sflag:s0], s1  }
0x63: {  	s1 =	ssub.s32 @!p0 $0x0, s1;
	[sflag:s0] =	ssyncset.done @!p0 $0x0  }
0x64: {  	[sflag:s0] =	ssyncadd.s32 @!p0 s1  }
0x65: {  	[bflag:$0x3] =	sbarrier.arrive $0xFFFF  }
0x66: {  	_ =	shalt  }

// kernel: kernel.13.cloned.1.call-start
scs
__scs_entry_jumppad:
0x0: {  	(pc) =	sbr.rel $0x88, $3  }
0x1: {  	(tag) =	ssettag $0x0;
	lr =	simm.s32 $0x1  }
0x2: {  	[smem:$0x3F97] =	sst lr;
	_ =	strace $0xD0000000  }
0x3: {  	_ = 	snop  }
0x4: {  	_ = 	snop  }
0x5: {  	_ = 	snop  }
0x6: {  	_ = 	snop  }
0x7: {  	_ = 	snop  }
__scs_overlays_trampoline_lowered:
0x8: {  	[smem:$0x3FA6] =	sst s0  }
0x9: {  	[smem:$0x3FA7] =	sst s1  }
0xa: {  	[smem:$0x3FA8] =	sst s2  }
0xb: {  	[smem:$0x3FA9] =	sst s3  }
0xc: {  	[smem:$0x3FAA] =	sst s4  }
0xd: {  	[smem:$0x3FAB] =	sst s5  }
0xe: {  	[smem:$0x3FAC] =	sst s6  }
0xf: {  	[smem:$0x3FAD] =	sst s7  }
0x10: {  	[smem:$0x3FAE] =	sst s8  }
0x11: {  	[smem:$0x3FAF] =	sst s9;
	s0 =	simm.s32 @!p0 $0x0  }
0x12: {  	s1 =	sld [smem:$0x3F95];
	s0 =	simm.s32 @p0 $0x1  }
0x13: {  	[smem:$0x3FB0] =	sst s0;
	s0 =	simm.s32 @!p1 $0x0  }
0x14: {  	s2 =	sld [smem:$0x3F94];
	s0 =	simm.s32 @p1 $0x1  }
0x15: {  	[smem:$0x3FB1] =	sst s0;
	s0 =	simm.s32 @!p2 $0x0  }
0x16: {  	s3 =	sld [smem:$0x3FDB];
	s0 =	simm.s32 @p2 $0x1  }
0x17: {  	s4 =	simm.s32 $0x1BF5;
	[smem:$0x3FB3] =	sst s0  }
0x18: {  	s0 =	sld [smem:$0x3F96];
	_ =	swait.ge [sflag:s4], $0x0  }
0x19: {  	s7 =	sld [smem:$0x3F97]  }
0x1a: {  	s8 =	sadd.s32 $0xFFFFE003, lr  }
0x1b: {  	s9 =	sadd.s32 $0xFFFFFEF7, lr;
	s5 =	simm.s32 $0xFFFFFFFF;
	p2 =	slt.u32 s8, $0xFFFFF086  }
0x1c: {  	p1 =	slt.u32 s9, $0xF7A;
	s5 =	simm.s32 @!p2 $0x0  }
0x1d: {  	s5 =	simm.s32 @p1 $0x1;
	p0 =	seq.s32 s7, s2  }
0x1e: {  	s7 =	smul.u32 @!p0 $0xF7A, s2;
	p2 =	seq.s32 @!p0 s5, $0x0  }
0x1f: {  	s9 =	smul.u32 $0xF7A, s1;
	s8 =	simm.s32 @!p0 $0x1BF5;
	p2 =	por !p2, p0  }
0x20: {  	[sflag:s8] =	ssyncset.s32 @!p0 $0xFFFFF086;
	s6 =	sadd.s32 @!p0 s3, s7;
	s7 =	simm.s32 @!p0 $0x108  }
0x21: {  	s3 =	sadd.s32 s3, s9;
	s6 =	sadd.s32 @!p0 $0x88, s6;
	s7 =	simm.s32 @p2 $0x1082  }
0x22: {  	[simem:s7], [sflag:s8] =	dma.local @!p0 [hbm:s6], $0xF7A  }
0x23: {  	s9 =	sor.u32 $0xD0000000, s2;
	s6 =	simm.s32 $0x108;
	_ =	swait.ge @!p0 [sflag:s8], $0x0  }
0x24: {  	s3 =	sadd.s32 $0x88, s3;
	s6 =	simm.s32 @!p1 $0x1082;
	[sflag:s4] =	ssyncset.s32 $0xFFFFF086  }
0x25: {  	[simem:s6], [sflag:s4] =	dma.local [hbm:s3], $0xF7A  }
0x26: {  	[smem:$0x3F97] =	sst s1;
	(tag) =	ssettag s2;
	_ =	strace s9  }
0x27: {  	s1 =	sld [smem:$0x3FA7]  }
0x28: {  	s2 =	sld [smem:$0x3FA8]  }
0x29: {  	s4 =	sld [smem:$0x3FAA]  }
0x2a: {  	p0 =	seq.s32 s5, $0x0;
	s5 =	sld [smem:$0x3FAB]  }
0x2b: {  	s6 =	sld [smem:$0x3FAC]  }
0x2c: {  	s7 =	sld [smem:$0x3FAD]  }
0x2d: {  	s3 =	simm.s32 $0x108;
	s8 =	sld [smem:$0x3FAE]  }
0x2e: {  	s3 =	simm.s32 @!p0 $0x1082;
	s9 =	sld [smem:$0x3FAF]  }
0x2f: {  	lr =	sadd.s32 s0, s3;
	s0 =	sld [smem:$0x3FA6]  }
0x30: {  	s3 =	sld [smem:$0x3FA9]  }
0x31: {  	[smem:$0x3FB2] =	sst s10  }
0x32: {  	s10 =	sld [smem:$0x3FB0];
	_ =	sdelay $0x3  }
0x33: {  	p0 =	seq.s32 s10, $0x1;
	s10 =	sld [smem:$0x3FB2];
	_ =	sdelay $0x3  }
0x34: {  	[smem:$0x3FB2] =	sst s10  }
0x35: {  	s10 =	sld [smem:$0x3FB1];
	_ =	sdelay $0x3  }
0x36: {  	p1 =	seq.s32 s10, $0x1;
	s10 =	sld [smem:$0x3FB2];
	_ =	sdelay $0x3  }
0x37: {  	[smem:$0x3FB2] =	sst s10  }
0x38: {  	s10 =	sld [smem:$0x3FB3]  }
0x39: {  	_ = 	snop;
	(pc) =	sbr.ind lr, $3  }
0x3a: {  	_ = 	snop  }
0x3b: {  	_ = 	snop  }
0x3c: {  	p2 =	seq.s32 s10, $0x1;
	s10 =	sld [smem:$0x3FB2]  }
0x3d: {  	_ =	shalt  }
0x3e: {  	_ =	shalt  }
0x3f: {  	_ =	shalt  }
0x40: {  	_ =	shalt  }
0x41: {  	_ =	shalt  }
0x42: {  	_ =	shalt  }
0x43: {  	_ =	shalt  }
0x44: {  	_ =	shalt  }
0x45: {  	_ =	shalt  }
0x46: {  	_ =	shalt  }
0x47: {  	_ =	shalt  }
0x48: {  	_ =	shalt  }
0x49: {  	_ =	shalt  }
0x4a: {  	_ =	shalt  }
0x4b: {  	_ =	shalt  }
0x4c: {  	_ =	shalt  }
0x4d: {  	_ =	shalt  }
0x4e: {  	_ =	shalt  }
0x4f: {  	_ =	shalt  }
0x50: {  	_ =	shalt  }
0x51: {  	_ =	shalt  }
0x52: {  	_ =	shalt  }
0x53: {  	_ =	shalt  }
0x54: {  	_ =	shalt  }
0x55: {  	_ =	shalt  }
0x56: {  	_ =	shalt  }
0x57: {  	_ =	shalt  }
0x58: {  	_ =	shalt  }
0x59: {  	_ =	shalt  }
0x5a: {  	_ =	shalt  }
0x5b: {  	_ =	shalt  }
0x5c: {  	_ =	shalt  }
0x5d: {  	_ =	shalt  }
0x5e: {  	_ =	shalt  }
0x5f: {  	_ =	shalt  }
0x60: {  	_ =	shalt  }
0x61: {  	_ =	shalt  }
0x62: {  	_ =	shalt  }
0x63: {  	_ =	shalt  }
0x64: {  	_ =	shalt  }
0x65: {  	_ =	shalt  }
0x66: {  	_ =	shalt  }
0x67: {  	_ =	shalt  }
0x68: {  	_ =	shalt  }
0x69: {  	_ =	shalt  }
0x6a: {  	_ =	shalt  }
0x6b: {  	_ =	shalt  }
0x6c: {  	_ =	shalt  }
0x6d: {  	_ =	shalt  }
0x6e: {  	_ =	shalt  }
0x6f: {  	_ =	shalt  }
0x70: {  	_ =	shalt  }
0x71: {  	_ =	shalt  }
0x72: {  	_ =	shalt  }
0x73: {  	_ =	shalt  }
0x74: {  	_ =	shalt  }
0x75: {  	_ =	shalt  }
0x76: {  	_ =	shalt  }
0x77: {  	_ =	shalt  }
0x78: {  	_ =	shalt  }
0x79: {  	_ =	shalt  }
0x7a: {  	_ =	shalt  }
0x7b: {  	_ =	shalt  }
0x7c: {  	_ =	shalt  }
0x7d: {  	_ =	shalt  }
0x7e: {  	_ =	shalt  }
0x7f: {  	_ =	shalt  }
0x80: {  	_ =	shalt  }
0x81: {  	_ =	shalt  }
0x82: {  	_ =	shalt  }
0x83: {  	_ =	shalt  }
0x84: {  	_ =	shalt  }
0x85: {  	_ =	shalt  }
0x86: {  	_ =	shalt  }
0x87: {  	_ =	shalt  }
.Lfunc_end0:
.L_simem_size_0:
called_computation.3_lowered:
.L_overlay_start_0:
0x88: {  	s2 =	sld [smem:$0x3FD9]  }
0x89: {  	s3 =	sld [smem:$0x3FFE];
	_ =	sdelay $0x1  }
0x8a: {  	s1 =	srdreg.scid  }
0x8b: {  	s0 =	sand.u32 $0x1, s1  }
0x8c: {  	s17 =	sshll.u32 s0, $0xA;
	s2 =	sadd.s32 s3, s2  }
0x8d: {  	s2 =	sadd.s32 s2, s17  }
0x8e: {  	[smem:$0x3FBE] =	sst s2  }
0x8f: {  	_ = 	snop  }
0x90: {  	s2 =	sld [smem:$0x3FC7]  }
0x91: {  	s18 =	sld [smem:$0x3FD0];
	(tm) =	ssettm $0x1  }
0x92: {  	s4 =	sld [smem:$0x3FFB];
	_ =	sdelay $0x3  }
0x93: {  	_ =	strace s4  }
0x94: {  	s4 =	sld [smem:$0x3FFC];
	_ =	sdelay $0x3  }
0x95: {  	_ =	strace s4  }
0x96: {  	s4 =	sld [smem:$0x3FFD];
	_ =	sdelay $0x3  }
0x97: {  	_ =	strace s4  }
0x98: {  	_ =	strace $0x8FFFFFFF  }
0x99: {  	s19 =	sld [smem:$0x3FDB];
	_ =	sdelay $0x1  }
0x9a: {  	s5 =	simm.s32 $_scs_section_size  }
0x9b: {  	s6 =	simm.s32 $_size__tile_overlayer_lowered;
	s7 =	simm.s32 $_tile_overlayer_lowered  }
0x9c: {  	s22 =	simm.s32 $0x1BFF;
	s21 =	sshll.u32 s7, $0x1;
	s4 =	sadd.s32 s5, s19  }
0x9d: {  	s8 =	simm.s32 $0x0;
	s20 =	sshll.u32 s6, $0x1;
	s6 =	sadd.s32 s21, s4  }
0x9e: {  	[timem:s8], [sflag:s22] =	dma.local [hbm:s6], s20  }
0x9f: {  	_ =	swait.ge [sflag:s22], s20  }
0xa0: {  	s5 =	ssub.s32 $0x0, s20;
	[sflag:s22] =	ssyncset.done $0x0  }
0xa1: {  	[sflag:s22] =	ssyncadd.s32 s5;
	_ =	sdelay $0x1  }
0xa2: {  	s23 =	simm.s32 $0x1B8B  }
0xa3: {  	_ =	swait.ge [sflag:s23], $0x1  }
0xa4: {  	[sflag:s23] =	ssyncset.done $0x0  }
0xa5: {  	s25 =	simm.s32 $0x1B8E;
	s24 =	sld [smem:$0x3FFE];
	[sflag:s23] =	ssyncadd.s32 $0xFFFFFFFF  }
0xa6: {  	s26 =	simm.s32 $execute0_lowered;
	[smem:$0x3FD2] =	sst s25  }
0xa7: {  	s6 =	sshll.u32 s26, $0x1;
	_ =	strace $0x8000004C;
	[dreg:$0x1] =	wrdreg $0xFFFFFFFF  }
0xa8: {  	s28 =	simm.s32 $_size_execute0_lowered;
	s4 =	sadd.s32 s4, s6;
	[dreg:$0x0] =	wrdreg $0x0  }
0xa9: {  	s6 =	sshll.u32 s28, $0x1;
	[dreg:$0x2] =	wrdreg s4  }
0xaa: {  	[dreg:$0x3] =	wrdreg s6  }
0xab: {  	[dreg:$0x4] =	wrdreg $0xC0  }
0xac: {  	_ =	task [dreg:s8], $0x5FFFF  }
0xad: {  	[dreg:$0x1] =	wrdreg $0xFFFFFFFF  }
0xae: {  	[dreg:$0x0] =	wrdreg $0x60  }
0xaf: {  	[dreg:$0x2] =	wrdreg s18  }
0xb0: {  	[dreg:$0x3] =	wrdreg s24  }
0xb1: {  	[dreg:$0x4] =	wrdreg s2  }
0xb2: {  	[dreg:$0x5] =	wrdreg $0xA8800  }
0xb3: {  	[dreg:$0x6] =	wrdreg $0x9  }
0xb4: {  	_ =	task.clear_ibuf [dreg:s8], $0x7FFFF;
	_ =	strace $0x9000004C  }
0xb5: {  	s29 =	simm.s32 $0x9;
	_ =	strace $0x8000004E  }
0xb6: {  	_ =	swait.ge [sflag:s29], $0x1  }
0xb7: {  	[sflag:s29] =	ssyncadd.s32 $0xFFFFFFFF  }
0xb8: {  	_ =	strace $0x9000004E  }
0xb9: {  	_ =	sfence  }
0xba: {  	s30 =	sld [smem:$0x0];
	_ =	sdelay $0x2  }
0xbb: {  	s31 =	sshll.u32 s1, $0xD;
	s1 =	sshrl.u32 s1, $0x2  }
0xbc: {  	s3 =	sand.u32 $0x4000, s31;
	s1 =	sadd.s32 s1, s30  }
0xbd: {  	s0 =	sor.u32 s3, s0;
	s1 =	sshll.u32 s1, $0x11  }
0xbe: {  	s0 =	sor.u32 s1, s0  }
0xbf: {  	s0 =	sadd.s32 $0x8F2B, s0  }
0xc0: {  	[sflag:s0] =	ssyncadd.remote.s32 $0x1  }
0xc1: {  	_ =	sfence.sel $0xFFFF  }
0xc2: {  	[dreg:$0x0] =	wrdreg $0xFFFFFFFF;
	(pc) =	sbr.abs _section_cstart, $3  }
0xc3: {  	[dreg:$0x1] =	wrdreg $0xFFFFFFFF  }
0xc4: {  	_ =	task.clear_ibuf [dreg:s8], $0x2FFFF;
	_ =	strace $0x9FFFFFFF  }
0xc5: {  	(tm) =	ssettm $0x7FFFFFFF  }
tec
execute0_lowered:
.L_overlay_start_1:
0x0: {  	(tag) =	ssettag $0x1  }
0x1: {  	s1 =	rddreg [dreg:$0x0]  }
0x2: {  	s0 =	rddreg [dreg:$0x1]  }
0x3: {  	s11 =	rddreg [dreg:$0x2]  }
0x4: {  	s2 =	rddreg [dreg:$0x3]  }
0x5: {  	s3 =	simm.s32 $0x0;
	s4 =	stileid.u32;
	s9 =	srdreg.scid  }
0x6: {  	s20 =	simm.s32 $0x1;
	s21 =	simm.s32 $0x6800;
	s22 =	simm.s32 $0x2  }
0x7: {  	s23 =	simm.s32 $0x100;
	s24 =	simm.s32 $0x1480;
	s26 =	simm.s32 $0x40  }
0x8: {  	s28 =	simm.s32 $0x0;
	[smem:$0x7FF] =	sst s3;
	s5 =	sadd.s32 $0x3600, s0  }
0x9: {  	s6 =	sadd.s32 $0xD600, s0;
	s7 =	sadd.s32 $0x49C00, s0;
	s8 =	sadd.s32 $0x17600, s0  }
0xa: {  	s14 =	sshll.u32 s4, $0xA;
	s25 =	sand.u32 $0x1, s9;
	s10 =	smul.u32 $0x50000, s4  }
0xb: {  	s15 =	sadd.s32 $0x4C400, s0;
	s30 =	sshll.u32 s4, $0x6;
	s31 =	smul.u32 $0x28, s4  }
0xc: {  	s17 =	smul.u32 $0x78, s4;
	s19 =	sshll.u32 s4, $0x3;
	_ =	strace $0x8000004D  }
0xd: {  	s12 =	sadd.s32 s14, s0;
	s9 =	ssub.s32 $0x2, s25;
	s0 =	sadd.s32 $0x50400, s0  }
0xe: {  	p0 =	seq.s32 s25, $0x0;
	s18 =	sshll.u32 s25, $0xE;
	s11 =	sadd.s32 s11, s19  }
0xf: {  	s19 =	simm.s32 $0x2800;
	s13 =	sshrl.u32 s9, $0x1;
	s29 =	sshrl.u32 s10, $0x2  }
0x10: {  	s10 =	sadd.s32 $0x780, s31;
	s12 =	sadd.s32 s18, s12;
	s8 =	smov.u32 @p0 s1  }
.Ltmp0:
0x11: {  	s0 =	smov.u32 @p0 s15;
	s18 =	simm.s32 $0x80;
	(pc) =	sbr.rel .LBB2_1-.Ltmp0, $4  }
0x12: {  	s13 =	ssub.s32 s9, s13;
	s16 =	sadd.s32 s29, s2;
	s9 =	sor.u32 $0x1C03, s30  }
0x13: {  	s10 =	smov.u32 @p0 s17;
	s12 =	sadd.s32 $0x3F600, s12;
	s14 =	sadd.s32 s0, s14  }
0x14: {  	s17 =	simm.s32 $0x1400;
	p0 =	sne.s32 s25, $0x0;
	s25 =	simm.s32 $0xA800  }
0x15: {  	s13 =	smax.u32 s13, $0x1;
	s15 =	sshrl.u32 s16, $0x3;
	s16 =	simm.s32 $0x3  }
.LBB2_6:
0x16: {  	[bflag:$0x0] =	sbarrier.arrive $0xFFFF  }
0x17: {  	[tilespmem:s25], [sflag:$0x3] =	stream.linear.gather [hbm4b:s11+s3], $0x40, $0x38;
	[tilespmem:$0x1E880] =	vst v63  }
0x18: {  	_ =	swait.ge [sflag:s16], $0x40  }
0x19: {  	[sflag:s16] =	ssyncset.done $0x0  }
0x1a: {  	[sflag:s16] =	ssyncadd.s32 $0xFFFFFFC0  }
0x1b: {  	[tilespmem:s19], [sflag:$0x1] =	stream.indirect.gather [spmem:s2], $0x80, s25, s26, $0xb8;
	[tilespmem:$0x1E880] =	vst v63  }
0x1c: {  	_ =	swait.ge [sflag:s20], $0x2000  }
0x1d: {  	[sflag:s20] =	ssyncset.done $0x0  }
0x1e: {  	[sflag:s20] =	ssyncadd.s32 $0xFFFFE000  }
0x1f: {  	[hbm4b:s12+s3] =	stream.linear.scatter [tilespmem:s19], [sflag:$0x3], $0x2000, $0x38;
	[tilespmem:$0x1E880] =	vst v63  }
0x20: {  	_ =	swait.ge [sflag:s16], $0x2000  }
0x21: {  	[sflag:s16] =	ssyncset.done $0x0  }
0x22: {  	[sflag:s16] =	ssyncadd.s32 $0xFFFFE000  }
0x23: {  	[tilespmem:s19], [sflag:$0x1] =	stream.indirect.gather [hbm4b:s8+s26], $0x80, s25, s26, $0xb8;
	[tilespmem:$0x1E880] =	vst v63  }
0x24: {  	s28 =	sadd.s32 $0x1, s28;
	_ =	swait.ge [sflag:s20], $0x2000  }
0x25: {  	p1 =	sne.s32 s28, s13;
	[sflag:s20] =	ssyncset.done $0x0  }
.Ltmp1:
0x26: {  	[sflag:s20] =	ssyncadd.s32 $0xFFFFE000;
	(pc) =	sbr.rel @!p1 .LBB2_7-.Ltmp1, $4  }
0x27: {  	[hbm4b:s14+s3] =	stream.linear.scatter [tilespmem:s19], [sflag:$0x3], $0x2000, $0x38;
	[tilespmem:$0x1E880] =	vst v63  }
0x28: {  	_ =	swait.ge [sflag:s16], $0x2000  }
0x29: {  	[sflag:s16] =	ssyncset.done $0x0  }
0x2a: {  	[sflag:s16] =	ssyncadd.s32 $0xFFFFE000  }
.LBB2_1:
0x2b: {  	[spmem:s15], [sflag:s9] =	dma.local [hbm:s7], $0x2800  }
.Ltmp2:
0x2c: {  	_ =	swait.ge [sflag:s16], $0x2800;
	(pc) =	sbr.rel .LBB2_2-.Ltmp2, $4  }
0x2d: {  	[sflag:s16] =	ssyncset.done $0x0  }
0x2e: {  	[sflag:s16] =	ssyncadd.s32 $0xFFFFD800  }
0x2f: {  	[bflag:$0x0] =	sbarrier.arrive $0xFFFF  }
0x30: {  	s29 =	simm.s32 $0x0  }
.LBB2_5:
0x31: {  	p1 =	slt.u32 @!p0 s29, $0x2  }
0x32: {  	p1 =	por p0, !p1  }
.Ltmp3:
0x33: {  	_ = 	snop;
	(pc) =	sbr.rel @p1 .LBB2_6-.Ltmp3, $4  }
0x34: {  	[spmem:s2] =	stream.indirect.scatter.add.f32 [tilespmem:s21], [sflag:$0x2], $0x80, s0, s18, $0xb8;
	[tilespmem:$0x1E880] =	vst v63  }
0x35: {  	_ =	swait.ge [sflag:s22], $0x4000  }
0x36: {  	[sflag:s22] =	ssyncset.done $0x0  }
0x37: {  	s29 =	sadd.s32 $0x1, s29;
	[sflag:s22] =	ssyncadd.s32 $0xFFFFC000  }
.LBB2_2:
0x38: {  	s0 =	smul.u32 $0x28, s29;
	_ =	sdelay $0x1  }
0x39: {  	s0 =	sadd.s32 s10, s0  }
0x3a: {  	s0 =	sshll.u32 s0, $0x4  }
0x3b: {  	s30 =	sadd.s32 s5, s0  }
0x3c: {  	[tilespmem:s3], [sflag:$0x3] =	stream.linear.gather [hbm4b:s30+s3], $0x1400, $0x38;
	[tilespmem:$0x1E880] =	vst v63  }
0x3d: {  	_ =	swait.ge [sflag:s16], $0x1400  }
0x3e: {  	[sflag:s16] =	ssyncset.done $0x0  }
0x3f: {  	s0 =	sadd.s32 s6, s0;
	[sflag:s16] =	ssyncadd.s32 $0xFFFFEC00  }
0x40: {  	[tilespmem:s17], [sflag:$0x3] =	stream.linear.gather [hbm4b:s0+s3], $0x1400, $0x38;
	[tilespmem:$0x1E880] =	vst v63  }
0x41: {  	_ =	swait.ge [sflag:s16], $0x1400  }
0x42: {  	[sflag:s16] =	ssyncset.done $0x0  }
0x43: {  	[sflag:s16] =	ssyncadd.s32 $0xFFFFEC00  }
0x44: {  	[tilespmem:s19], [sflag:$0x1] =	stream.indirect.gather [hbm4b:s1+s18], $0x80, s3, s18, $0xb8;
	[tilespmem:$0x1E880] =	vst v63  }
0x45: {  	_ =	swait.ge [sflag:s20], $0x4000  }
0x46: {  	[sflag:s20] =	ssyncset.done $0x0  }
0x47: {  	[sflag:s20] =	ssyncadd.s32 $0xFFFFC000  }
0x48: {  	[tilespmem:s21], [sflag:$0x1] =	stream.indirect.gather [hbm4b:s1+s18], $0x80, s18, s18, $0xb8;
	[tilespmem:$0x1E880] =	vst v63  }
0x49: {  	_ = 	snop  }
0x4a: {  	[spmem:s2] =	stream.indirect.scatter.add.f32 [tilespmem:s19], [sflag:$0x2], $0x80, s17, s18, $0xb8;
	[tilespmem:$0x1E880] =	vst v63  }
0x4b: {  	_ =	swait.ge [sflag:s20], $0x4000  }
0x4c: {  	[sflag:s20] =	ssyncset.done $0x0  }
0x4d: {  	[sflag:s20] =	ssyncadd.s32 $0xFFFFC000  }
0x4e: {  	_ =	swait.ge [sflag:s22], $0x4000  }
0x4f: {  	[sflag:s22] =	ssyncset.done $0x0  }
0x50: {  	[sflag:s22] =	ssyncadd.s32 $0xFFFFC000  }
0x51: {  	[tilespmem:s19], [sflag:$0x1] =	stream.indirect.gather [hbm4b:s1+s18], $0x80, s23, s18, $0xb8;
	[tilespmem:$0x1E880] =	vst v63  }
0x52: {  	s30 =	simm.s32 $0xFFFFB800  }
0x53: {  	[spmem:s2] =	stream.indirect.scatter.add.f32 [tilespmem:s21], [sflag:$0x2], $0x80, s24, s18, $0xb8;
	[tilespmem:$0x1E880] =	vst v63  }
.LBB2_3:
0x54: {  	_ =	swait.ge [sflag:s20], $0x4000  }
0x55: {  	[sflag:s20] =	ssyncset.done $0x0  }
0x56: {  	[sflag:s20] =	ssyncadd.s32 $0xFFFFC000  }
0x57: {  	_ =	swait.ge [sflag:s22], $0x4000  }
0x58: {  	s31 =	sshra.s32 s30, $0x2;
	[sflag:s22] =	ssyncset.done $0x0  }
0x59: {  	s0 =	sadd.s32 $0x1380, s31;
	[sflag:s22] =	ssyncadd.s32 $0xFFFFC000  }
0x5a: {  	[tilespmem:s21], [sflag:$0x1] =	stream.indirect.gather [hbm4b:s1+s18], $0x80, s0, s18, $0xb8;
	[tilespmem:$0x1E880] =	vst v63  }
0x5b: {  	s0 =	sadd.s32 $0x2700, s31  }
0x5c: {  	[spmem:s2] =	stream.indirect.scatter.add.f32 [tilespmem:s19], [sflag:$0x2], $0x80, s0, s18, $0xb8;
	[tilespmem:$0x1E880] =	vst v63  }
0x5d: {  	p1 =	seq.s32 s30, $0x0;
	_ =	swait.ge [sflag:s20], $0x4000  }
.Ltmp4:
0x5e: {  	[sflag:s20] =	ssyncset.done $0x0;
	(pc) =	sbr.rel @p1 .LBB2_5-.Ltmp4, $4  }
0x5f: {  	[sflag:s20] =	ssyncadd.s32 $0xFFFFC000  }
0x60: {  	_ =	swait.ge [sflag:s22], $0x4000  }
0x61: {  	[sflag:s22] =	ssyncset.done $0x0  }
0x62: {  	s0 =	sadd.s32 $0x2780, s31;
	[sflag:s22] =	ssyncadd.s32 $0xFFFFC000  }
.Ltmp5:
0x63: {  	(pc) =	sbr.rel .LBB2_3-.Ltmp5, $4  }
0x64: {  	s31 =	sadd.s32 $0x1400, s31  }
0x65: {  	[tilespmem:s19], [sflag:$0x1] =	stream.indirect.gather [hbm4b:s1+s18], $0x80, s31, s18, $0xb8;
	[tilespmem:$0x1E880] =	vst v63  }
0x66: {  	s30 =	sadd.s32 $0x400, s30  }
0x67: {  	[spmem:s2] =	stream.indirect.scatter.add.f32 [tilespmem:s21], [sflag:$0x2], $0x80, s0, s18, $0xb8;
	[tilespmem:$0x1E880] =	vst v63  }
.LBB2_7:
0x68: {  	_ =	sfence.sel $0x180000  }
0x69: {  	[bflag:$0x0] =	sbarrier.arrive $0xFFFF  }
0x6a: {  	_ =	strace $0x9000004D  }
0x6b: {  	[bflag:$0x2] =	sbarrier.arrive $0xFFFF  }
0x6c: {  	p0 =	sne.s32 s4, $0x0;
	s0 =	rddreg [dreg:$0x4]  }
0x6d: {  	s0 =	sadd.s32 @!p0 $0x100000, s0  }
0x6e: {  	[sflag:s0] =	ssyncadd.tile.s32 @!p0 $0x1;
	_ =	shalt  }
.Lfunc_end2:
_tile_overlayer_lowered:
.L_overlay_start_2:
0x6f: {  	(tag) =	ssettag $0x2  }
0x70: {  	s0 =	rddreg [dreg:$0x0];
	s2 =	stileid.u32  }
0x71: {  	s1 =	rddreg [dreg:$0x1];
	p0 =	sne.s32 s2, $0x0  }
0x72: {  	s3 =	rddreg [dreg:$0x2];
	[bflag:$0x3] =	sbarrier.arrive $0xFFFF;
	s2 =	simm.s32 @!p0 $0x1C03  }
0x73: {  	[timem:s3], [sflag:s2] =	dma.local @!p0 [hbm:s0], s1  }
0x74: {  	s0 =	simm.s32 @!p0 $0x3  }
0x75: {  	_ =	swait.ge @!p0 [sflag:s0], s1  }
0x76: {  	s1 =	ssub.s32 @!p0 $0x0, s1;
	[sflag:s0] =	ssyncset.done @!p0 $0x0  }
0x77: {  	[sflag:s0] =	ssyncadd.s32 @!p0 s1  }
0x78: {  	[bflag:$0x3] =	sbarrier.arrive $0xFFFF  }
0x79: {  	_ =	shalt  }

// kernel: kernel.7.cloned.1.call-start
scs
__scs_entry_jumppad:
0x0: {  	(pc) =	sbr.rel $0x88, $3  }
0x1: {  	(tag) =	ssettag $0x0;
	lr =	simm.s32 $0x1  }
0x2: {  	[smem:$0x3F97] =	sst lr;
	_ =	strace $0xD0000000  }
0x3: {  	_ = 	snop  }
0x4: {  	_ = 	snop  }
0x5: {  	_ = 	snop  }
0x6: {  	_ = 	snop  }
0x7: {  	_ = 	snop  }
__scs_overlays_trampoline_lowered:
0x8: {  	[smem:$0x3FA6] =	sst s0  }
0x9: {  	[smem:$0x3FA7] =	sst s1  }
0xa: {  	[smem:$0x3FA8] =	sst s2  }
0xb: {  	[smem:$0x3FA9] =	sst s3  }
0xc: {  	[smem:$0x3FAA] =	sst s4  }
0xd: {  	[smem:$0x3FAB] =	sst s5  }
0xe: {  	[smem:$0x3FAC] =	sst s6  }
0xf: {  	[smem:$0x3FAD] =	sst s7  }
0x10: {  	[smem:$0x3FAE] =	sst s8  }
0x11: {  	[smem:$0x3FAF] =	sst s9;
	s0 =	simm.s32 @!p0 $0x0  }
0x12: {  	s1 =	sld [smem:$0x3F95];
	s0 =	simm.s32 @p0 $0x1  }
0x13: {  	[smem:$0x3FB0] =	sst s0;
	s0 =	simm.s32 @!p1 $0x0  }
0x14: {  	s2 =	sld [smem:$0x3F94];
	s0 =	simm.s32 @p1 $0x1  }
0x15: {  	[smem:$0x3FB1] =	sst s0;
	s0 =	simm.s32 @!p2 $0x0  }
0x16: {  	s3 =	sld [smem:$0x3FDB];
	s0 =	simm.s32 @p2 $0x1  }
0x17: {  	s4 =	simm.s32 $0x1BF5;
	[smem:$0x3FB3] =	sst s0  }
0x18: {  	s0 =	sld [smem:$0x3F96];
	_ =	swait.ge [sflag:s4], $0x0  }
0x19: {  	s7 =	sld [smem:$0x3F97]  }
0x1a: {  	s8 =	sadd.s32 $0xFFFFE003, lr  }
0x1b: {  	s9 =	sadd.s32 $0xFFFFFEF7, lr;
	s5 =	simm.s32 $0xFFFFFFFF;
	p2 =	slt.u32 s8, $0xFFFFF086  }
0x1c: {  	p1 =	slt.u32 s9, $0xF7A;
	s5 =	simm.s32 @!p2 $0x0  }
0x1d: {  	s5 =	simm.s32 @p1 $0x1;
	p0 =	seq.s32 s7, s2  }
0x1e: {  	s7 =	smul.u32 @!p0 $0xF7A, s2;
	p2 =	seq.s32 @!p0 s5, $0x0  }
0x1f: {  	s9 =	smul.u32 $0xF7A, s1;
	s8 =	simm.s32 @!p0 $0x1BF5;
	p2 =	por !p2, p0  }
0x20: {  	[sflag:s8] =	ssyncset.s32 @!p0 $0xFFFFF086;
	s6 =	sadd.s32 @!p0 s3, s7;
	s7 =	simm.s32 @!p0 $0x108  }
0x21: {  	s3 =	sadd.s32 s3, s9;
	s6 =	sadd.s32 @!p0 $0x88, s6;
	s7 =	simm.s32 @p2 $0x1082  }
0x22: {  	[simem:s7], [sflag:s8] =	dma.local @!p0 [hbm:s6], $0xF7A  }
0x23: {  	s9 =	sor.u32 $0xD0000000, s2;
	s6 =	simm.s32 $0x108;
	_ =	swait.ge @!p0 [sflag:s8], $0x0  }
0x24: {  	s3 =	sadd.s32 $0x88, s3;
	s6 =	simm.s32 @!p1 $0x1082;
	[sflag:s4] =	ssyncset.s32 $0xFFFFF086  }
0x25: {  	[simem:s6], [sflag:s4] =	dma.local [hbm:s3], $0xF7A  }
0x26: {  	[smem:$0x3F97] =	sst s1;
	(tag) =	ssettag s2;
	_ =	strace s9  }
0x27: {  	s1 =	sld [smem:$0x3FA7]  }
0x28: {  	s2 =	sld [smem:$0x3FA8]  }
0x29: {  	s4 =	sld [smem:$0x3FAA]  }
0x2a: {  	p0 =	seq.s32 s5, $0x0;
	s5 =	sld [smem:$0x3FAB]  }
0x2b: {  	s6 =	sld [smem:$0x3FAC]  }
0x2c: {  	s7 =	sld [smem:$0x3FAD]  }
0x2d: {  	s3 =	simm.s32 $0x108;
	s8 =	sld [smem:$0x3FAE]  }
0x2e: {  	s3 =	simm.s32 @!p0 $0x1082;
	s9 =	sld [smem:$0x3FAF]  }
0x2f: {  	lr =	sadd.s32 s0, s3;
	s0 =	sld [smem:$0x3FA6]  }
0x30: {  	s3 =	sld [smem:$0x3FA9]  }
0x31: {  	[smem:$0x3FB2] =	sst s10  }
0x32: {  	s10 =	sld [smem:$0x3FB0];
	_ =	sdelay $0x3  }
0x33: {  	p0 =	seq.s32 s10, $0x1;
	s10 =	sld [smem:$0x3FB2];
	_ =	sdelay $0x3  }
0x34: {  	[smem:$0x3FB2] =	sst s10  }
0x35: {  	s10 =	sld [smem:$0x3FB1];
	_ =	sdelay $0x3  }
0x36: {  	p1 =	seq.s32 s10, $0x1;
	s10 =	sld [smem:$0x3FB2];
	_ =	sdelay $0x3  }
0x37: {  	[smem:$0x3FB2] =	sst s10  }
0x38: {  	s10 =	sld [smem:$0x3FB3]  }
0x39: {  	_ = 	snop;
	(pc) =	sbr.ind lr, $3  }
0x3a: {  	_ = 	snop  }
0x3b: {  	_ = 	snop  }
0x3c: {  	p2 =	seq.s32 s10, $0x1;
	s10 =	sld [smem:$0x3FB2]  }
0x3d: {  	_ =	shalt  }
0x3e: {  	_ =	shalt  }
0x3f: {  	_ =	shalt  }
0x40: {  	_ =	shalt  }
0x41: {  	_ =	shalt  }
0x42: {  	_ =	shalt  }
0x43: {  	_ =	shalt  }
0x44: {  	_ =	shalt  }
0x45: {  	_ =	shalt  }
0x46: {  	_ =	shalt  }
0x47: {  	_ =	shalt  }
0x48: {  	_ =	shalt  }
0x49: {  	_ =	shalt  }
0x4a: {  	_ =	shalt  }
0x4b: {  	_ =	shalt  }
0x4c: {  	_ =	shalt  }
0x4d: {  	_ =	shalt  }
0x4e: {  	_ =	shalt  }
0x4f: {  	_ =	shalt  }
0x50: {  	_ =	shalt  }
0x51: {  	_ =	shalt  }
0x52: {  	_ =	shalt  }
0x53: {  	_ =	shalt  }
0x54: {  	_ =	shalt  }
0x55: {  	_ =	shalt  }
0x56: {  	_ =	shalt  }
0x57: {  	_ =	shalt  }
0x58: {  	_ =	shalt  }
0x59: {  	_ =	shalt  }
0x5a: {  	_ =	shalt  }
0x5b: {  	_ =	shalt  }
0x5c: {  	_ =	shalt  }
0x5d: {  	_ =	shalt  }
0x5e: {  	_ =	shalt  }
0x5f: {  	_ =	shalt  }
0x60: {  	_ =	shalt  }
0x61: {  	_ =	shalt  }
0x62: {  	_ =	shalt  }
0x63: {  	_ =	shalt  }
0x64: {  	_ =	shalt  }
0x65: {  	_ =	shalt  }
0x66: {  	_ =	shalt  }
0x67: {  	_ =	shalt  }
0x68: {  	_ =	shalt  }
0x69: {  	_ =	shalt  }
0x6a: {  	_ =	shalt  }
0x6b: {  	_ =	shalt  }
0x6c: {  	_ =	shalt  }
0x6d: {  	_ =	shalt  }
0x6e: {  	_ =	shalt  }
0x6f: {  	_ =	shalt  }
0x70: {  	_ =	shalt  }
0x71: {  	_ =	shalt  }
0x72: {  	_ =	shalt  }
0x73: {  	_ =	shalt  }
0x74: {  	_ =	shalt  }
0x75: {  	_ =	shalt  }
0x76: {  	_ =	shalt  }
0x77: {  	_ =	shalt  }
0x78: {  	_ =	shalt  }
0x79: {  	_ =	shalt  }
0x7a: {  	_ =	shalt  }
0x7b: {  	_ =	shalt  }
0x7c: {  	_ =	shalt  }
0x7d: {  	_ =	shalt  }
0x7e: {  	_ =	shalt  }
0x7f: {  	_ =	shalt  }
0x80: {  	_ =	shalt  }
0x81: {  	_ =	shalt  }
0x82: {  	_ =	shalt  }
0x83: {  	_ =	shalt  }
0x84: {  	_ =	shalt  }
0x85: {  	_ =	shalt  }
0x86: {  	_ =	shalt  }
0x87: {  	_ =	shalt  }
.Lfunc_end0:
.L_simem_size_0:
called_computation.1_lowered:
.L_overlay_start_0:
0x88: {  	s2 =	sld [smem:$0x3FD9]  }
0x89: {  	s3 =	sld [smem:$0x3FFE];
	_ =	sdelay $0x1  }
0x8a: {  	s1 =	srdreg.scid  }
0x8b: {  	s0 =	sand.u32 $0x1, s1  }
0x8c: {  	s17 =	sshll.u32 s0, $0xA;
	s2 =	sadd.s32 s3, s2  }
0x8d: {  	s2 =	sadd.s32 s2, s17  }
0x8e: {  	[smem:$0x3FBE] =	sst s2  }
0x8f: {  	_ = 	snop  }
0x90: {  	s2 =	sld [smem:$0x3FC6]  }
0x91: {  	s18 =	sld [smem:$0x3FD0];
	(tm) =	ssettm $0x1  }
0x92: {  	s4 =	sld [smem:$0x3FFB];
	_ =	sdelay $0x3  }
0x93: {  	_ =	strace s4  }
0x94: {  	s4 =	sld [smem:$0x3FFC];
	_ =	sdelay $0x3  }
0x95: {  	_ =	strace s4  }
0x96: {  	s4 =	sld [smem:$0x3FFD];
	_ =	sdelay $0x3  }
0x97: {  	_ =	strace s4  }
0x98: {  	_ =	strace $0x8FFFFFFF  }
0x99: {  	s19 =	sld [smem:$0x3FDB];
	_ =	sdelay $0x1  }
0x9a: {  	s5 =	simm.s32 $_scs_section_size  }
0x9b: {  	s6 =	simm.s32 $_size__tile_overlayer_lowered;
	s7 =	simm.s32 $_tile_overlayer_lowered  }
0x9c: {  	s22 =	simm.s32 $0x1BFF;
	s21 =	sshll.u32 s7, $0x1;
	s4 =	sadd.s32 s5, s19  }
0x9d: {  	s8 =	simm.s32 $0x0;
	s20 =	sshll.u32 s6, $0x1;
	s6 =	sadd.s32 s21, s4  }
0x9e: {  	[timem:s8], [sflag:s22] =	dma.local [hbm:s6], s20  }
0x9f: {  	_ =	swait.ge [sflag:s22], s20  }
0xa0: {  	s5 =	ssub.s32 $0x0, s20;
	[sflag:s22] =	ssyncset.done $0x0  }
0xa1: {  	[sflag:s22] =	ssyncadd.s32 s5;
	_ =	sdelay $0x1  }
0xa2: {  	s23 =	simm.s32 $0x1B8B  }
0xa3: {  	_ =	swait.ge [sflag:s23], $0x1  }
0xa4: {  	[sflag:s23] =	ssyncset.done $0x0  }
0xa5: {  	s25 =	simm.s32 $0x1B8E;
	s24 =	sld [smem:$0x3FFE];
	[sflag:s23] =	ssyncadd.s32 $0xFFFFFFFF  }
0xa6: {  	s26 =	simm.s32 $execute0_lowered;
	[smem:$0x3FD2] =	sst s25  }
0xa7: {  	s6 =	sshll.u32 s26, $0x1;
	_ =	strace $0x80000046;
	[dreg:$0x1] =	wrdreg $0xFFFFFFFF  }
0xa8: {  	s28 =	simm.s32 $_size_execute0_lowered;
	s4 =	sadd.s32 s4, s6;
	[dreg:$0x0] =	wrdreg $0x0  }
0xa9: {  	s6 =	sshll.u32 s28, $0x1;
	[dreg:$0x2] =	wrdreg s4  }
0xaa: {  	[dreg:$0x3] =	wrdreg s6  }
0xab: {  	[dreg:$0x4] =	wrdreg $0xC0  }
0xac: {  	_ =	task [dreg:s8], $0x5FFFF  }
0xad: {  	[dreg:$0x1] =	wrdreg $0xFFFFFFFF  }
0xae: {  	[dreg:$0x0] =	wrdreg $0x60  }
0xaf: {  	[dreg:$0x2] =	wrdreg s2  }
0xb0: {  	[dreg:$0x3] =	wrdreg s18  }
0xb1: {  	[dreg:$0x4] =	wrdreg s24  }
0xb2: {  	[dreg:$0x5] =	wrdreg $0x9  }
0xb3: {  	_ =	task.clear_ibuf [dreg:s8], $0x6FFFF;
	_ =	strace $0x90000046  }
0xb4: {  	s29 =	simm.s32 $0x9;
	_ =	strace $0x80000048  }
0xb5: {  	_ =	swait.ge [sflag:s29], $0x1  }
0xb6: {  	[sflag:s29] =	ssyncadd.s32 $0xFFFFFFFF  }
0xb7: {  	_ =	strace $0x90000048  }
0xb8: {  	_ =	sfence  }
0xb9: {  	s30 =	sld [smem:$0x0];
	_ =	sdelay $0x2  }
0xba: {  	s31 =	sshll.u32 s1, $0xD;
	s1 =	sshrl.u32 s1, $0x2  }
0xbb: {  	s3 =	sand.u32 $0x4000, s31;
	s1 =	sadd.s32 s1, s30  }
0xbc: {  	s0 =	sor.u32 s3, s0;
	s1 =	sshll.u32 s1, $0x11  }
0xbd: {  	s0 =	sor.u32 s1, s0  }
0xbe: {  	s0 =	sadd.s32 $0x8F2B, s0  }
0xbf: {  	[sflag:s0] =	ssyncadd.remote.s32 $0x1  }
0xc0: {  	_ =	sfence.sel $0xFFFF  }
0xc1: {  	[dreg:$0x0] =	wrdreg $0xFFFFFFFF;
	(pc) =	sbr.abs _section_cstart, $3  }
0xc2: {  	[dreg:$0x1] =	wrdreg $0xFFFFFFFF  }
0xc3: {  	_ =	task.clear_ibuf [dreg:s8], $0x2FFFF;
	_ =	strace $0x9FFFFFFF  }
0xc4: {  	(tm) =	ssettm $0x7FFFFFFF  }
0xc5: {  	_ =	shalt  }
tec
execute0_lowered:
.L_overlay_start_1:
0x0: {  	(tag) =	ssettag $0x1  }
0x1: {  	s1 =	rddreg [dreg:$0x0]  }
0x2: {  	s2 =	srdreg.scid;
	s5 =	rddreg [dreg:$0x1]  }
0x3: {  	s0 =	stileid.u32;
	s7 =	rddreg [dreg:$0x2]  }
0x4: {  	s3 =	simm.s32 $0x0;
	s13 =	simm.s32 $0xA180;
	s14 =	simm.s32 $0xC980  }
0x5: {  	s15 =	simm.s32 $0x1;
	s16 =	simm.s32 $0x80;
	s17 =	simm.s32 $0x400  }
0x6: {  	s18 =	simm.s32 $0x0;
	s6 =	sand.u32 $0x1, s2;
	s25 =	sshll.u32 s0, $0x1  }
0x7: {  	s2 =	rddreg [dreg:$0x3];
	s10 =	sshrl.u32 s0, $0x3;
	s9 =	smul.u32 $0x28000, s6  }
0x8: {  	[smem:$0x7FF] =	sst s3;
	s8 =	sor.u32 s6, s25;
	s10 =	smul.u32 $0x14000, s10  }
0x9: {  	s11 =	sshll.u32 s0, $0x7;
	_ =	strace $0x80000047;
	s4 =	smul.u32 $0x500, s8  }
0xa: {  	s26 =	sand.u32 $0x380, s11;
	s6 =	ssub.s32 $0x2, s6;
	s28 =	smul.u32 $0x1400, s8  }
0xb: {  	s11 =	simm.s32 $0x140;
	s8 =	smul.u32 $0x28, s8;
	s30 =	sshrl.u32 s6, $0x1  }
0xc: {  	s9 =	sadd.s32 s9, s10;
	s31 =	ssub.s32 s6, s30;
	s10 =	simm.s32 $0x2  }
0xd: {  	s12 =	sadd.s32 s4, s7;
	s4 =	sadd.s32 $0x17600, s7;
	s9 =	sor.u32 s26, s9  }
0xe: {  	s29 =	sadd.s32 s28, s7;
	s5 =	sadd.s32 s5, s8;
	s9 =	sshrl.u32 s9, $0x3  }
0xf: {  	s6 =	sadd.s32 $0xD600, s12;
	s12 =	simm.s32 $0x180;
	s9 =	sadd.s32 s9, s7  }
0x10: {  	v0 =	vimm.f32 $1.000000000e+00;
	s7 =	sadd.s32 $0x21C00, s29;
	s8 =	sadd.s32 $0x17C00, s9;
	s9 =	smax.u32 s31, $0x1  }
.LBB2_1:
0x11: {  	[tilespmem:s3], [sflag:$0x2] =	stream.linear.gather [hbm4b:s5+s3], $0x140, $0x38;
	[tilespmem:$0xF180] =	vst v63  }
0x12: {  	_ =	swait.ge [sflag:s10], $0x140  }
0x13: {  	[sflag:s10] =	ssyncset.done $0x0  }
0x14: {  	[sflag:s10] =	ssyncadd.s32 $0xFFFFFEC0  }
0x15: {  	[tilespmem:s12], [sflag:$0x1] =	stream.indirect.gather [hbm4b:s1+s11], $0x80, s3, s11, $0xb8;
	[tilespmem:$0xF180] =	vst v63  }
0x16: {  	_ = 	snop  }
0x17: {  	[tilespmem:s13], [sflag:$0x2] =	stream.linear.gather [hbm4b:s6+s3], $0x2800, $0x38;
	[tilespmem:$0xF180] =	vst v63  }
0x18: {  	_ =	swait.ge [sflag:s10], $0x2800  }
0x19: {  	[sflag:s10] =	ssyncset.done $0x0  }
0x1a: {  	[sflag:s10] =	ssyncadd.s32 $0xFFFFD800  }
0x1b: {  	[tilespmem:s14], [sflag:$0x2] =	stream.linear.gather [hbm4b:s4+s3], $0x2800, $0x38;
	[tilespmem:$0xF180] =	vst v63  }
0x1c: {  	_ =	swait.ge [sflag:s10], $0x2800  }
0x1d: {  	[sflag:s10] =	ssyncset.done $0x0  }
0x1e: {  	s19 =	simm.s32 $0x0;
	[sflag:s10] =	ssyncadd.s32 $0xFFFFD800  }
.LBB2_2:
0x1f: {  	s20 =	sshra.s32 s19, $0x2  }
0x20: {  	v1 =	vld [tilespmem:s20+$0xA180];
	_ =	sdelay $0x7  }
0x21: {  	[tilespmem:v1+s14+$0x0] =	vst.idx.add.f32.msk $0xffff, v0  }
0x22: {  	v1 =	vld [tilespmem:s20+$0xA190];
	_ =	sdelay $0x7  }
0x23: {  	[tilespmem:v1+s14+$0x0] =	vst.idx.add.f32.msk $0xffff, v0  }
0x24: {  	v1 =	vld [tilespmem:s20+$0xA1A0];
	_ =	sdelay $0x7  }
0x25: {  	[tilespmem:v1+s14+$0x0] =	vst.idx.add.f32.msk $0xffff, v0  }
0x26: {  	v1 =	vld [tilespmem:s20+$0xA1B0];
	_ =	sdelay $0x7  }
0x27: {  	[tilespmem:v1+s14+$0x0] =	vst.idx.add.f32.msk $0xffff, v0  }
0x28: {  	v1 =	vld [tilespmem:s20+$0xA1C0];
	_ =	sdelay $0x7  }
0x29: {  	[tilespmem:v1+s14+$0x0] =	vst.idx.add.f32.msk $0xffff, v0  }
0x2a: {  	v1 =	vld [tilespmem:s20+$0xA1D0];
	_ =	sdelay $0x7  }
0x2b: {  	[tilespmem:v1+s14+$0x0] =	vst.idx.add.f32.msk $0xffff, v0  }
0x2c: {  	v1 =	vld [tilespmem:s20+$0xA1E0];
	_ =	sdelay $0x7  }
0x2d: {  	[tilespmem:v1+s14+$0x0] =	vst.idx.add.f32.msk $0xffff, v0  }
0x2e: {  	v1 =	vld [tilespmem:s20+$0xA1F0];
	_ =	sdelay $0x2  }
0x2f: {  	p0 =	sne.s32 s19, $0x9E00  }
.Ltmp0:
0x30: {  	_ = 	snop;
	(pc) =	sbr.rel @p0 .LBB2_2-.Ltmp0, $2  }
0x31: {  	_ =	sdelay $0x2  }
0x32: {  	s19 =	sadd.s32 $0x200, s19;
	[tilespmem:v1+s14+$0x0] =	vst.idx.add.f32.msk $0xffff, v0  }
0x33: {  	_ =	swait.ge [sflag:s15], $0xA000  }
0x34: {  	[sflag:s15] =	ssyncset.done $0x0  }
0x35: {  	[sflag:s15] =	ssyncadd.s32 $0xFFFF6000  }
0x36: {  	[hbm4b:s7+s3] =	stream.linear.scatter [tilespmem:s12], [sflag:$0x2], $0xA000, $0x38;
	[tilespmem:$0xF180] =	vst v63  }
0x37: {  	s18 =	sadd.s32 $0x1, s18;
	_ =	swait.ge [sflag:s10], $0xA000  }
0x38: {  	p0 =	sne.s32 s18, s9;
	[sflag:s10] =	ssyncset.done $0x0  }
.Ltmp1:
0x39: {  	[sflag:s10] =	ssyncadd.s32 $0xFFFF6000;
	(pc) =	sbr.rel @p0 .LBB2_1-.Ltmp1, $4  }
0x3a: {  	[hbm4b:s8+s16] =	stream.strided.scatter [tilespmem:s14], [sflag:$0x2], $0x2800, s17, s16, $0x38;
	[tilespmem:$0xF180] =	vst v63  }
0x3b: {  	_ =	swait.ge [sflag:s10], $0x2800  }
0x3c: {  	[sflag:s10] =	ssyncset.done $0x0  }
0x3d: {  	[sflag:s10] =	ssyncadd.s32 $0xFFFFD800  }
0x3e: {  	_ =	sfence.sel $0x180000  }
0x3f: {  	[bflag:$0x0] =	sbarrier.arrive $0xFFFF  }
0x40: {  	p0 =	sne.s32 s0, $0x0;
	_ =	strace $0x90000047  }
0x41: {  	s0 =	sadd.s32 @!p0 $0x100000, s2;
	[bflag:$0x2] =	sbarrier.arrive $0xFFFF  }
0x42: {  	[sflag:s0] =	ssyncadd.tile.s32 @!p0 $0x1;
	_ =	shalt  }
.Lfunc_end2:
_tile_overlayer_lowered:
.L_overlay_start_2:
0x43: {  	(tag) =	ssettag $0x2  }
0x44: {  	s0 =	rddreg [dreg:$0x0];
	s2 =	stileid.u32  }
0x45: {  	s1 =	rddreg [dreg:$0x1];
	p0 =	sne.s32 s2, $0x0  }
0x46: {  	s3 =	rddreg [dreg:$0x2];
	[bflag:$0x3] =	sbarrier.arrive $0xFFFF;
	s2 =	simm.s32 @!p0 $0x1C02  }
0x47: {  	[timem:s3], [sflag:s2] =	dma.local @!p0 [hbm:s0], s1  }
0x48: {  	s0 =	simm.s32 @!p0 $0x2  }
0x49: {  	_ =	swait.ge @!p0 [sflag:s0], s1  }
0x4a: {  	s1 =	ssub.s32 @!p0 $0x0, s1;
	[sflag:s0] =	ssyncset.done @!p0 $0x0  }
0x4b: {  	[sflag:s0] =	ssyncadd.s32 @!p0 s1  }
0x4c: {  	[bflag:$0x3] =	sbarrier.arrive $0xFFFF  }
0x4d: {  	_ =	shalt  }

// kernel: sparse-core-data-format-call.cloned.1.call-start
scs
called_computation_lowered:
.L_overlay_start_0:
0x0: {  	s2 =	sld [smem:$0x3FD9]  }
0x1: {  	s3 =	sld [smem:$0x3FFE];
	_ =	sdelay $0x1  }
0x2: {  	s1 =	srdreg.scid  }
0x3: {  	s0 =	sand.u32 $0x1, s1  }
0x4: {  	s18 =	sshll.u32 s0, $0xA;
	s2 =	sadd.s32 s3, s2  }
0x5: {  	s2 =	sadd.s32 s2, s18  }
0x6: {  	[smem:$0x3FBE] =	sst s2  }
0x7: {  	_ = 	snop  }
0x8: {  	s2 =	sld [smem:$0x3FD0];
	(tm) =	ssettm $0x1  }
0x9: {  	s19 =	sld [smem:$0x3FFB];
	_ =	sdelay $0x3  }
0xa: {  	_ =	strace s19  }
0xb: {  	s3 =	sld [smem:$0x3FFC];
	_ =	sdelay $0x3  }
0xc: {  	_ =	strace s3  }
0xd: {  	s3 =	sld [smem:$0x3FFD];
	_ =	sdelay $0x3  }
0xe: {  	_ =	strace s3  }
0xf: {  	_ =	strace $0x8FFFFFFF  }
0x10: {  	s20 =	sld [smem:$0x3FDB];
	_ =	sdelay $0x1  }
0x11: {  	s4 =	simm.s32 $_scs_section_size  }
0x12: {  	s5 =	simm.s32 $_size__tile_overlayer_lowered;
	s6 =	simm.s32 $_tile_overlayer_lowered  }
0x13: {  	s23 =	simm.s32 $0x1BFF;
	s22 =	sshll.u32 s6, $0x1;
	s3 =	sadd.s32 s4, s20  }
0x14: {  	s7 =	simm.s32 $0x0;
	s21 =	sshll.u32 s5, $0x1;
	s5 =	sadd.s32 s22, s3  }
0x15: {  	[timem:s7], [sflag:s23] =	dma.local [hbm:s5], s21  }
0x16: {  	_ =	swait.ge [sflag:s23], s21  }
0x17: {  	s4 =	ssub.s32 $0x0, s21;
	[sflag:s23] =	ssyncset.done $0x0  }
0x18: {  	[sflag:s23] =	ssyncadd.s32 s4;
	_ =	sdelay $0x1  }
0x19: {  	s24 =	simm.s32 $0x1B8B  }
0x1a: {  	_ =	swait.ge [sflag:s24], $0x1  }
0x1b: {  	[sflag:s24] =	ssyncset.done $0x0  }
0x1c: {  	s26 =	simm.s32 $0x1B8E;
	s25 =	sld [smem:$0x3FFE];
	[sflag:s24] =	ssyncadd.s32 $0xFFFFFFFF  }
0x1d: {  	s27 =	simm.s32 $execute0_lowered;
	[smem:$0x3FD2] =	sst s26  }
0x1e: {  	s5 =	sshll.u32 s27, $0x1;
	_ =	strace $0x8000004F;
	[dreg:$0x1] =	wrdreg $0xFFFFFFFF  }
0x1f: {  	s28 =	simm.s32 $_size_execute0_lowered;
	s3 =	sadd.s32 s3, s5;
	[dreg:$0x0] =	wrdreg $0x0  }
0x20: {  	s5 =	sshll.u32 s28, $0x1;
	[dreg:$0x2] =	wrdreg s3  }
0x21: {  	[dreg:$0x3] =	wrdreg s5  }
0x22: {  	[dreg:$0x4] =	wrdreg $0xC0  }
0x23: {  	_ =	task [dreg:s7], $0x5FFFF  }
0x24: {  	[dreg:$0x1] =	wrdreg $0xFFFFFFFF  }
0x25: {  	[dreg:$0x0] =	wrdreg $0x60  }
0x26: {  	[dreg:$0x2] =	wrdreg s25  }
0x27: {  	[dreg:$0x3] =	wrdreg s2  }
0x28: {  	[dreg:$0x4] =	wrdreg $0x9  }
0x29: {  	_ =	task.clear_ibuf [dreg:s7], $0x5FFFF;
	_ =	strace $0x9000004F  }
0x2a: {  	s29 =	simm.s32 $0x9;
	_ =	strace $0x80000051  }
0x2b: {  	_ =	swait.ge [sflag:s29], $0x1  }
0x2c: {  	[sflag:s29] =	ssyncadd.s32 $0xFFFFFFFF  }
0x2d: {  	_ =	strace $0x90000051  }
0x2e: {  	_ =	sfence  }
0x2f: {  	s30 =	sld [smem:$0x0];
	_ =	sdelay $0x2  }
0x30: {  	s31 =	sshll.u32 s1, $0xD;
	s1 =	sshrl.u32 s1, $0x2  }
0x31: {  	s3 =	sand.u32 $0x4000, s31;
	s1 =	sadd.s32 s1, s30  }
0x32: {  	s0 =	sor.u32 s3, s0;
	s1 =	sshll.u32 s1, $0x11  }
0x33: {  	s0 =	sor.u32 s1, s0  }
0x34: {  	s0 =	sadd.s32 $0x8F2B, s0  }
0x35: {  	[sflag:s0] =	ssyncadd.remote.s32 $0x1  }
0x36: {  	_ =	sfence.sel $0xFFFF  }
0x37: {  	[dreg:$0x0] =	wrdreg $0xFFFFFFFF;
	(pc) =	sbr.abs _section_cstart, $3  }
0x38: {  	[dreg:$0x1] =	wrdreg $0xFFFFFFFF  }
0x39: {  	_ =	task.clear_ibuf [dreg:s7], $0x2FFFF;
	_ =	strace $0x9FFFFFFF  }
0x3a: {  	(tm) =	ssettm $0x7FFFFFFF  }
0x3b: {  	_ =	shalt  }
tec
execute0_lowered:
.L_overlay_start_1:
0x0: {  	(tag) =	ssettag $0x1  }
0x1: {  	s0 =	stileid.u32  }
0x2: {  	s2 =	srdreg.scid;
	s7 =	rddreg [dreg:$0x0]  }
0x3: {  	s6 =	simm.s32 $0x1;
	s31 =	simm.s32 $0x2;
	s16 =	simm.s32 $0x0  }
0x4: {  	s9 =	simm.s32 $0x2000;
	s15 =	simm.s32 $0x0;
	s10 =	simm.s32 $0x0  }
0x5: {  	s11 =	simm.s32 $0x0;
	s14 =	simm.s32 $0x0;
	s1 =	sshll.u32 s0, $0x7  }
0x6: {  	s3 =	sshll.u32 s0, $0x4;
	s2 =	sshll.u32 s2, $0x8;
	s1 =	sand.u32 $0x380, s1  }
0x7: {  	s7 =	sadd.s32 $0x143600, s7;
	s2 =	sor.u32 s3, s2;
	s5 =	ssub.s32 $0x400, s1  }
0x8: {  	s3 =	rddreg [dreg:$0x1];
	s4 =	sand.u32 $0x180, s2;
	s29 =	sand.u32 $0x380, s5  }
0x9: {  	s30 =	ssub.s32 $0x2700, s4;
	s5 =	sshrl.u32 s5, $0xA;
	p0 =	sne.s32 s29, $0x0  }
.Ltmp0:
0xa: {  	s8 =	sshrl.u32 s30, $0x9;
	s6 =	simm.s32 @!p0 $0x0;
	(pc) =	sbr.rel .LBB1_1-.Ltmp0, $4  }
0xb: {  	s2 =	rddreg [dreg:$0x2];
	s8 =	sadd.s32 $0x1, s8;
	s6 =	sadd.s32 s6, s5  }
0xc: {  	_ =	strace $0x80000050;
	s5 =	simm.s32 $0x1;
	s6 =	smul.u32 s6, s8  }
0xd: {  	s13 =	smov.u32 s1;
	s12 =	smov.u32 s4;
	[sflag:s5] =	ssyncpa.u1 $0x0  }
0xe: {  	p0 =	por $0x0, $0x0;
	[sflag:s31] =	ssyncpa.u1 $0x0;
	s8 =	sadd.s32 $0x1, s6  }
.LBB1_4:
0xf: {  	s21 =	sshra.s32 s21, $0x2;
	s27 =	sshll.u32 s10, $0xA;
	s22 =	sshll.u32 s11, $0x3  }
0x10: {  	s23 =	sshll.u32 s10, $0x7;
	s24 =	sand.u32 $0x78, s11;
	p1 =	sgt.s32 s10, $0x2690  }
0x11: {  	s25 =	sshra.s32 s10, $0x1F;
	s26 =	sshra.s32 s11, $0x1F;
	s20 =	sadd.s32 s21, s20  }
0x12: {  	v5 =	vld [tilespmem:s18+$0xFFFFFFD0];
	[tilespmem:s19+$0x2040 ss:$0x81] =	vst.msk $0xffff, v4;
	s21 =	sand.u32 $0xFFFFE000, s27;
	s22 =	sand.u32 $0xFFFFFC00, s22;
	s28 =	sand.u32 $0x380, s23  }
0x13: {  	v58 =	vld [tilespmem:s18+$0xFFFFFFE0];
	[tilespmem:s19+$0x2850 ss:$0x81] =	vst.msk $0xffff, v3;
	s23 =	smov.u32 s10;
	s30 =	sand.u32 s25, s10;
	s25 =	smov.u32 s11  }
0x14: {  	v59 =	vld [tilespmem:s18+$0xFFFFFFF0];
	[tilespmem:s19+$0x3060 ss:$0x81] =	vst.msk $0xffff, v2;
	s31 =	sand.u32 s26, s11;
	s21 =	sadd.s32 s22, s21;
	s22 =	sor.u32 s24, s28  }
0x15: {  	v60 =	vld [tilespmem:s18+$0x0];
	[tilespmem:s19+$0x0 ss:$0x81] =	vst.msk $0xffff, v1;
	s23 =	simm.s32 @!p1 $0x2690;
	p1 =	sgt.s32 s11, $0x380;
	s21 =	sshrl.u32 s21, $0xA  }
0x16: {  	v61 =	vld [tilespmem:s18+$0x10];
	[tilespmem:s20+$0x3870 ss:$0x81] =	vst.msk $0xffff, v0;
	s19 =	ssub.s32 s23, s30;
	s25 =	simm.s32 @!p1 $0x380;
	s29 =	smulhi.u32 $0x1A36E3, s21  }
0x17: {  	v62 =	vld [tilespmem:s18+$0x20];
	s23 =	ssub.s32 s25, s31;
	s26 =	sadd.s32 $0xFFFFD970, s19;
	s19 =	ssub.s32 $0x2710, s19;
	[tilespmem:s20+$0x810 ss:$0x81] =	vst.msk $0xffff, v5  }
0x18: {  	v63 =	vld [tilespmem:s18+$0xFFFFFFC0];
	[tilespmem:s20+$0x1020 ss:$0x81] =	vst.msk $0xffff, v58;
	p1 =	sgt.s32 s26, $0x7F;
	s28 =	sadd.s32 $0xFFFFFC80, s23;
	s24 =	sshrl.u32 s29, $0x2  }
0x19: {  	[tilespmem:s20+$0x1830 ss:$0x81] =	vst.msk $0xffff, v59;
	s23 =	ssub.s32 $0x400, s23;
	p2 =	sgt.s32 s28, $0x7F;
	s27 =	smul.u32 $0x2710, s24  }
0x1a: {  	s30 =	sand.u32 $0x7, s11;
	[tilespmem:s20+$0x2040 ss:$0x81] =	vst.msk $0xffff, v60;
	s19 =	simm.s32 @p1 $0x0;
	s23 =	simm.s32 @p2 $0x0  }
0x1b: {  	[tilespmem:s20+$0x2850 ss:$0x81] =	vst.msk $0xffff, v61;
	s29 =	sshrl.u32 s22, $0x3;
	s19 =	smul.u32 s23, s19;
	s18 =	ssub.s32 s21, s27  }
0x1c: {  	[tilespmem:s20+$0x3060 ss:$0x81] =	vst.msk $0xffff, v62;
	s22 =	sshll.u32 s30, $0x12;
	s21 =	sadd.s32 s3, s29;
	s18 =	sshll.u32 s18, $0x7  }
0x1d: {  	[tilespmem:s20+$0x0 ss:$0x81] =	vst.msk $0xffff, v63;
	s31 =	sor.u32 $0x400, s22;
	s19 =	sand.u32 $0x3FFFFFFF, s19;
	s18 =	sadd.s32 s18, s21  }
0x1e: {  	[hbm4b:s18+s31] =	stream.strided.scatter [tilespmem:s17], [sflag:$0x2], s19, s9, s31, $0x20;
	[tilespmem:$0x10100] =	vst v63  }
.LBB1_5:
0x1f: {  	p1 =	slt.u32 s14, $0x2  }
0x20: {  	s18 =	smov.u32 s16;
	p2 =	sgt.s32 @!p1 s16, $0x2690;
	s17 =	sshra.s32 @!p1 s16, $0x1F  }
0x21: {  	p3 =	sgt.s32 @!p1 s15, $0x380;
	s19 =	sshra.s32 @!p1 s15, $0x1F;
	p2 =	por !p2, p1  }
0x22: {  	s16 =	sand.u32 @!p1 s17, s16;
	p3 =	por !p3, p1;
	s17 =	smov.u32 s15  }
0x23: {  	s15 =	sand.u32 @!p1 s19, s15;
	s18 =	simm.s32 @p2 $0x2690;
	s17 =	simm.s32 @p3 $0x380  }
0x24: {  	s16 =	ssub.s32 @!p1 s18, s16;
	s15 =	ssub.s32 @!p1 s17, s15  }
0x25: {  	s19 =	smov.u32 s13;
	s17 =	sadd.s32 @!p1 $0xFFFFD970, s16;
	s18 =	sadd.s32 @!p1 $0xFFFFFC80, s15  }
0x26: {  	s16 =	ssub.s32 @!p1 $0x2710, s16;
	p2 =	sgt.s32 @!p1 s17, $0x7F;
	p3 =	sgt.s32 @!p1 s18, $0x7F  }
0x27: {  	s15 =	ssub.s32 @!p1 $0x400, s15;
	p2 =	por !p2, p1;
	p3 =	por !p3, p1  }
0x28: {  	s17 =	sadd.s32 $0x200, s12;
	s16 =	simm.s32 @!p2 $0x0;
	s15 =	simm.s32 @!p3 $0x0  }
0x29: {  	p2 =	sgt.s32 s17, $0x270F;
	s15 =	smul.u32 @!p1 s15, s16;
	s16 =	sadd.s32 $0x400, s13  }
0x2a: {  	s19 =	smov.u32 @p2 s16  }
0x2b: {  	s17 =	smov.u32 @p2 s4;
	p2 =	sgt.s32 s19, $0x3FF  }
0x2c: {  	s19 =	smov.u32 @p2 s1;
	p2 =	sne.s32 s14, s8  }
.Ltmp1:
0x2d: {  	p0 =	por !p0, !p0;
	s18 =	simm.s32 @!p1 $0x2;
	(pc) =	sbr.rel @!p2 .LBB1_6-.Ltmp1, $4  }
0x2e: {  	s16 =	smov.u32 s10;
	s10 =	smov.u32 s12;
	s15 =	sand.u32 @!p1 $0x3FFFFFFF, s15  }
0x2f: {  	s12 =	smov.u32 s17;
	_ =	swait.ge @!p1 [sflag:s18], s15;
	s20 =	ssub.s32 @!p1 $0x0, s15  }
0x30: {  	s15 =	smov.u32 s11;
	s14 =	sadd.s32 $0x1, s14;
	[sflag:s18] =	ssyncset.done @!p1 $0x0  }
0x31: {  	s11 =	smov.u32 s13;
	s13 =	smov.u32 s19;
	[sflag:s18] =	ssyncadd.s32 @!p1 s20  }
.LBB1_1:
0x32: {  	p1 =	sge.u32 s14, s6  }
0x33: {  	s17 =	sshrl.u32 @!p1 s13, $0x3  }
0x34: {  	s18 =	sshll.u32 @!p1 s12, $0x3;
	s17 =	smul.u32 @!p1 $0x13C00, s17  }
0x35: {  	s19 =	sshll.u32 @!p1 s13, $0x7;
	s18 =	sand.u32 @!p1 $0xFFFFFC00, s18  }
0x36: {  	s17 =	sadd.s32 @!p1 s17, s18;
	s18 =	sand.u32 @!p1 $0x380, s19  }
0x37: {  	s19 =	sand.u32 @!p1 $0x7F, s12;
	s17 =	sor.u32 @!p1 s18, s17  }
0x38: {  	s18 =	sor.u32 @!p1 s19, s17  }
0x39: {  	s19 =	smulhi.u32 @!p1 $0xCF6474A9, s18;
	_ =	sdelay $0x1  }
0x3a: {  	s17 =	smulhi.u32 @!p1 $0xCF6474A9, s17;
	s19 =	sshrl.u32 @!p1 s19, $0xD  }
0x3b: {  	s19 =	smul.u32 @!p1 $0x2780, s19  }
0x3c: {  	s31 =	sadd.s32 $0xFFFFFFFF, s14;
	s20 =	sxor.u32 @!p1 $0xFFFFFFFF, s14;
	s17 =	sshrl.u32 @!p1 s17, $0xD  }
0x3d: {  	s20 =	sshll.u32 @!p1 s20, $0xE;
	s17 =	sand.u32 @!p1 $0x3FF, s17;
	s18 =	ssub.s32 @!p1 s18, s19  }
0x3e: {  	s17 =	smul.u32 @!p1 $0x4F0, s17;
	s19 =	sshrl.u32 @!p1 s18, $0x3;
	s18 =	sand.u32 @!p1 $0x7, s18  }
0x3f: {  	s20 =	sand.u32 @!p1 $0x4000, s20;
	s19 =	sadd.s32 @!p1 s7, s19;
	s18 =	sshll.u32 @!p1 s18, $0x12  }
0x40: {  	s17 =	sadd.s32 @!p1 s17, s19;
	s18 =	sor.u32 @!p1 $0x400, s18;
	s19 =	simm.s32 @!p1 $0x13C00  }
0x41: {  	[tilespmem:s20], [sflag:$0x1] =	stream.strided.gather @!p1 [hbm4b:s17+s18], $0x4000, s19, s18, $0x38;
	[tilespmem:$0x10100] =	vst v63  }
0x42: {  	p1 =	sge.u32 s31, s6  }
.Ltmp2:
0x43: {  	_ = 	snop;
	(pc) =	sbr.rel @p1 .LBB1_5-.Ltmp2, $1  }
0x44: {  	_ =	sdelay $0x3  }
0x45: {  	s17 =	simm.s32 $0x1  }
0x46: {  	_ =	swait.ge [sflag:s5], $0x4000;
	s17 =	simm.s32 @!p0 $0x0  }
0x47: {  	[sflag:s5] =	ssyncset.done $0x0;
	s18 =	sshll.u32 s17, $0xE  }
0x48: {  	[sflag:s5] =	ssyncadd.s32 $0xFFFFC000;
	s18 =	sor.u32 $0x40, s18  }
0x49: {  	s17 =	smul.u32 $0x10200, s17;
	v0 =	vld [tilespmem:s18+$0x30]  }
0x4a: {  	v1 =	vld [tilespmem:s18+$0xFFFFFFD0]  }
0x4b: {  	s17 =	sshrl.u32 s17, $0x2;
	v5 =	vld [tilespmem:s18+$0xFFFFFFE0]  }
0x4c: {  	v6 =	vld [tilespmem:s18+$0xFFFFFFF0];
	s20 =	sor.u32 $0x8000, s17  }
0x4d: {  	s31 =	sand.u32 $0x1, s14;
	v4 =	vld [tilespmem:s18+$0x0];
	s19 =	sadd.s32 $0x0, s20  }
0x4e: {  	v3 =	vld [tilespmem:s18+$0x10];
	s17 =	smul.u32 $0x10200, s31;
	[tilespmem:s19+$0x3870 ss:$0x81] =	vst.msk $0xffff, v0  }
0x4f: {  	v2 =	vld [tilespmem:s18+$0x20];
	[tilespmem:s19+$0x810 ss:$0x81] =	vst.msk $0xffff, v1  }
0x50: {  	s17 =	sshrl.u32 s17, $0x2;
	v1 =	vld [tilespmem:s18+$0xFFFFFFC0];
	[tilespmem:s19+$0x1020 ss:$0x81] =	vst.msk $0xffff, v5;
	s18 =	sadd.s32 $0x80, s18  }
0x51: {  	s21 =	simm.s32 $0x4;
	s22 =	simm.s32 $0x8;
	s17 =	sor.u32 $0x8000, s17;
	[tilespmem:s19+$0x1830 ss:$0x81] =	vst.msk $0xffff, v6;
	v0 =	vld [tilespmem:s18+$0x30]  }
.LBB1_3:
0x52: {  	p1 =	sne.s32 s22, $0x1FC;
	v5 =	vld [tilespmem:s18+$0xFFFFFFD0];
	[tilespmem:s19+$0x2040 ss:$0x81] =	vst.msk $0xffff, v4  }
0x53: {  	v6 =	vld [tilespmem:s18+$0xFFFFFFE0];
	[tilespmem:s19+$0x2850 ss:$0x81] =	vst.msk $0xffff, v3  }
0x54: {  	s23 =	sshra.s32 s21, $0x2;
	s21 =	smov.u32 s22;
	v7 =	vld [tilespmem:s18+$0xFFFFFFF0];
	[tilespmem:s19+$0x3060 ss:$0x81] =	vst.msk $0xffff, v2  }
.Ltmp3:
0x55: {  	v4 =	vld [tilespmem:s18+$0x0];
	[tilespmem:s19+$0x0 ss:$0x81] =	vst.msk $0xffff, v1;
	s19 =	sadd.s32 s23, s20;
	(pc) =	sbr.rel @p1 .LBB1_3-.Ltmp3, $4  }
0x56: {  	v3 =	vld [tilespmem:s18+$0x10];
	[tilespmem:s19+$0x3870 ss:$0x81] =	vst.msk $0xffff, v0  }
0x57: {  	[tilespmem:s19+$0x810 ss:$0x81] =	vst.msk $0xffff, v5;
	v2 =	vld [tilespmem:s18+$0x20]  }
0x58: {  	v1 =	vld [tilespmem:s18+$0xFFFFFFC0];
	[tilespmem:s19+$0x1020 ss:$0x81] =	vst.msk $0xffff, v6;
	s18 =	sadd.s32 $0x80, s18  }
0x59: {  	s22 =	sadd.s32 $0x4, s22;
	v0 =	vld [tilespmem:s18+$0x30];
	[tilespmem:s19+$0x1830 ss:$0x81] =	vst.msk $0xffff, v7  }
.Ltmp4:
0x5a: {  	_ = 	snop;
	(pc) =	sbr.rel .LBB1_4-.Ltmp4, $1  }
0x5b: {  	_ =	sdelay $0x3  }
.LBB1_6:
0x5c: {  	_ =	sfence.sel $0x180000  }
0x5d: {  	s1 =	simm.s32 $0x1;
	[bflag:$0x0] =	sbarrier.arrive $0xFFFF  }
0x5e: {  	s31 =	simm.s32 $0x2;
	[sflag:s1] =	ssyncpa.u1 $0x1  }
0x5f: {  	[sflag:s31] =	ssyncpa.u1 $0x1  }
0x60: {  	p0 =	sne.s32 s0, $0x0;
	_ =	strace $0x90000050  }
0x61: {  	s0 =	sadd.s32 @!p0 $0x100000, s2;
	[bflag:$0x2] =	sbarrier.arrive $0xFFFF  }
0x62: {  	[sflag:s0] =	ssyncadd.tile.s32 @!p0 $0x1;
	_ =	shalt  }
.Lfunc_end1:
_tile_overlayer_lowered:
.L_overlay_start_2:
0x63: {  	(tag) =	ssettag $0x2  }
0x64: {  	s0 =	rddreg [dreg:$0x0];
	s2 =	stileid.u32  }
0x65: {  	s1 =	rddreg [dreg:$0x1];
	p0 =	sne.s32 s2, $0x0  }
0x66: {  	s3 =	rddreg [dreg:$0x2];
	[bflag:$0x3] =	sbarrier.arrive $0xFFFF;
	s2 =	simm.s32 @!p0 $0x1C01  }
0x67: {  	[timem:s3], [sflag:s2] =	dma.local @!p0 [hbm:s0], s1  }
0x68: {  	s0 =	simm.s32 @!p0 $0x1  }
0x69: {  	_ =	swait.ge @!p0 [sflag:s0], s1  }
0x6a: {  	s1 =	ssub.s32 @!p0 $0x0, s1;
	[sflag:s0] =	ssyncset.done @!p0 $0x0  }
0x6b: {  	[sflag:s0] =	ssyncadd.s32 @!p0 s1  }
0x6c: {  	[bflag:$0x3] =	sbarrier.arrive $0xFFFF  }
0x6d: {  	_ =	shalt  }

</sc_bundles>
